<compile_context>
chip_gen: v7x
topology: tpu7x:2x2x1
jax: 0.10.2.dev20260603
libtpu: 0.0.44.dev20260713+nightly
codegen_flags: <defaults>
</compile_context>

<pallas_src>
import functools

import jax
import jax.numpy as jnp
from jax import lax
from jax.experimental import pallas as pl
from jax.experimental.pallas import tpu as pltpu
from jax.experimental.pallas import tpu_sc as plsc

N = 10000
D = 128
E = 320000
NC = 1
NS = 16
NW = NC * NS
CHUNK = 96
ECHUNKS = 210
SUPER = 30
NSUPER = ECHUNKS // SUPER
EPAD = NW * ECHUNKS * CHUNK - E
TRASH = 32
NA = N + TRASH
ROWS_PER_TILE = 624
ZROWS = 16
DEGW = 16


def _matmul_body(h_ref, w_ref, z_ref):
    z_ref[...] = lax.dot_general(
        h_ref[...], w_ref[...],
        dimension_numbers=(((1,), (1,)), ((), ())),
        preferred_element_type=jnp.float32,
        precision=lax.Precision.HIGHEST,
    )


def _matmul(h, w):
    blk = 1000
    return pl.pallas_call(
        _matmul_body,
        grid=(N // blk,),
        in_specs=[
            pl.BlockSpec((blk, D), lambda i: (i, 0)),
            pl.BlockSpec((D, D), lambda i: (0, 0)),
        ],
        out_specs=pl.BlockSpec((blk, D), lambda i: (i, 0)),
        out_shape=jax.ShapeDtypeStruct((N, D), jnp.float32),
    )(h, w)


def _agg_body(z_hbm, src_hbm, dst_hbm, acc_hbm, deg_hbm,
              sidx, didx, rows0, rows1, ones, zbuf, dzbuf, acc_sh, deg_sh,
              gsem0, gsem1, ssem0, ssem1, osem0, osem1):
    cid = lax.axis_index("c")
    sid = lax.axis_index("s")
    wid = cid * NS + sid

    @pl.loop(0, CHUNK)
    def _(i):
        ones[i, :] = jnp.full((DEGW,), 1.0, jnp.float32)

    @pl.loop(0, ZROWS)
    def _(i):
        dzbuf[i, :] = jnp.zeros((DEGW,), jnp.float32)

        @pl.loop(0, D, step=16)
        def _(j):
            zbuf[i, pl.ds(j, 16)] = jnp.zeros((16,), jnp.float32)

    r0 = sid * ROWS_PER_TILE

    @pl.loop(0, ROWS_PER_TILE // ZROWS)
    def _(i):
        pltpu.sync_copy(zbuf, acc_sh.at[pl.ds(r0 + i * ZROWS, ZROWS)])
        pltpu.sync_copy(dzbuf, deg_sh.at[pl.ds(r0 + i * ZROWS, ZROWS)])

    @pl.when(sid == NS - 1)
    def _():
        tail = NS * ROWS_PER_TILE
        pltpu.sync_copy(zbuf.at[pl.ds(0, N - tail)], acc_sh.at[pl.ds(tail, N - tail)])
        pltpu.sync_copy(dzbuf.at[pl.ds(0, N - tail)], deg_sh.at[pl.ds(tail, N - tail)])

    plsc.subcore_barrier()

    cbase = wid * ECHUNKS

    @pl.loop(0, NSUPER)
    def _(g):
        pltpu.sync_copy(src_hbm.at[pl.ds(cbase + g * SUPER, SUPER)], sidx)
        pltpu.sync_copy(dst_hbm.at[pl.ds(cbase + g * SUPER, SUPER)], didx)

        @pl.loop(0, SUPER, step=2)
        def _(m):
            c0 = pltpu.async_copy(z_hbm.at[sidx.at[m]], rows0, gsem0)
            c1 = pltpu.async_copy(z_hbm.at[sidx.at[m + 1]], rows1, gsem1)
            c0.wait()
            s0 = pltpu.async_copy(rows0, acc_sh.at[didx.at[m]], ssem0, add=True)
            o0 = pltpu.async_copy(ones, deg_sh.at[didx.at[m]], osem0, add=True)
            c1.wait()
            s1 = pltpu.async_copy(rows1, acc_sh.at[didx.at[m + 1]], ssem1,
                                  add=True)
            o1 = pltpu.async_copy(ones, deg_sh.at[didx.at[m + 1]], osem1,
                                  add=True)
            s0.wait()
            o0.wait()
            s1.wait()
            o1.wait()

    plsc.subcore_barrier()

    obase = cid * N + r0
    pltpu.sync_copy(acc_sh.at[pl.ds(r0, ROWS_PER_TILE)],
                    acc_hbm.at[pl.ds(obase, ROWS_PER_TILE)])
    pltpu.sync_copy(deg_sh.at[pl.ds(r0, ROWS_PER_TILE)],
                    deg_hbm.at[pl.ds(obase, ROWS_PER_TILE)])

    @pl.when(sid == NS - 1)
    def _():
        tail = NS * ROWS_PER_TILE
        pltpu.sync_copy(acc_sh.at[pl.ds(tail, N - tail)],
                        acc_hbm.at[pl.ds(cid * N + tail, N - tail)])
        pltpu.sync_copy(deg_sh.at[pl.ds(tail, N - tail)],
                        deg_hbm.at[pl.ds(cid * N + tail, N - tail)])


def _aggregate(z, src2, dst2):
    mesh = plsc.VectorSubcoreMesh(core_axis_name="c", subcore_axis_name="s",
                                  num_cores=NC)
    agg = functools.partial(
        pl.kernel,
        out_type=(
            jax.ShapeDtypeStruct((NC * N, D), jnp.float32),
            jax.ShapeDtypeStruct((NC * N, DEGW), jnp.float32),
        ),
        mesh=mesh,
        scratch_types=[
            pltpu.VMEM((SUPER, CHUNK), jnp.int32),
            pltpu.VMEM((SUPER, CHUNK), jnp.int32),
            pltpu.VMEM((CHUNK, D), jnp.float32),
            pltpu.VMEM((CHUNK, D), jnp.float32),
            pltpu.VMEM((CHUNK, DEGW), jnp.float32),
            pltpu.VMEM((ZROWS, D), jnp.float32),
            pltpu.VMEM((ZROWS, DEGW), jnp.float32),
            pltpu.VMEM_SHARED((NA, D), jnp.float32),
            pltpu.VMEM_SHARED((NA, DEGW), jnp.float32),
            pltpu.SemaphoreType.DMA,
            pltpu.SemaphoreType.DMA,
            pltpu.SemaphoreType.DMA,
            pltpu.SemaphoreType.DMA,
            pltpu.SemaphoreType.DMA,
            pltpu.SemaphoreType.DMA,
        ],
        compiler_params=pltpu.CompilerParams(use_tc_tiling_on_sc=False),
    )(_agg_body)
    return agg(z, src2, dst2)


def _finalize_body(acc_ref, deg_ref, out_ref):
    a = acc_ref[0]
    d = deg_ref[0, :, 0:1]
    for c in range(1, NC):
        a = a + acc_ref[c]
        d = d + deg_ref[c, :, 0:1]
    inv = jnp.where(d > 0.0, 1.0 / jnp.maximum(d, 1.0), 0.0)
    out_ref[...] = a * inv


def _finalize(acc, deg):
    blk = 1000
    return pl.pallas_call(
        _finalize_body,
        grid=(N // blk,),
        in_specs=[
            pl.BlockSpec((NC, blk, D), lambda i: (0, i, 0)),
            pl.BlockSpec((NC, blk, DEGW), lambda i: (0, i, 0)),
        ],
        out_specs=pl.BlockSpec((blk, D), lambda i: (i, 0)),
        out_shape=jax.ShapeDtypeStruct((N, D), jnp.float32),
    )(acc, deg)


def kernel(h, u, edge_index, W_fc, W_attn2):
    z = _matmul(h, W_fc)
    src_p = jnp.concatenate(
        [edge_index[0], jnp.zeros((EPAD,), jnp.int32)])
    dst_p = jnp.concatenate(
        [edge_index[1], N + (jnp.arange(EPAD, dtype=jnp.int32) % TRASH)])
    src2 = src_p.reshape(NW * ECHUNKS, CHUNK)
    dst2 = dst_p.reshape(NW * ECHUNKS, CHUNK)
    acc, deg = _aggregate(z, src2, dst2)
    return _finalize(acc.reshape(NC, N, D), deg.reshape(NC, N, DEGW))

# --- scband reference (transcript-rebuilt; emitter-appended) ---
"""Pipeline reference for scband-gatlayer-14972255994477 (READ-ONLY COPY).

The authoritative reference and input builder live on the scoring server;
editing this copy changes nothing except your own understanding.
"""

import jax, jax.numpy as jnp
import numpy as np

N_NODES = 10000
N_EDGES = 320000
IN_DIM = 128
OUT_DIM = 128
NUM_COMMUNITY = 16


def entmax15(x, axis=-1, n_iter=30):
    # entmax with alpha=1.5 (Peters & Martins) via bisection on the threshold tau.
    x = x / 2.0
    mx = jnp.max(x, axis=axis, keepdims=True)
    lo = mx - 1.0
    hi = mx
    for _ in range(n_iter):
        tau = (lo + hi) / 2.0
        p = jnp.square(jnp.maximum(x - tau, 0.0))
        s = jnp.sum(p, axis=axis, keepdims=True)
        ge = s >= 1.0
        lo = jnp.where(ge, tau, lo)
        hi = jnp.where(ge, hi, tau)
    tau = (lo + hi) / 2.0
    return jnp.square(jnp.maximum(x - tau, 0.0))


def segment_entmax15(s, seg, num_segments, n_iter=30):
    # entmax-1.5 normalized within each destination-node segment (DGL mailbox dim=1).
    s = s / 2.0
    smax = jax.ops.segment_max(s, seg, num_segments=num_segments)
    smax = jnp.where(jnp.isfinite(smax), smax, 0.0)
    lo = smax - 1.0
    hi = smax
    for _ in range(n_iter):
        tau = (lo + hi) / 2.0
        p = jnp.square(jnp.maximum(s - tau[seg], 0.0))
        ssum = jax.ops.segment_sum(p, seg, num_segments=num_segments)
        ge = ssum >= 1.0
        lo = jnp.where(ge, tau, lo)
        hi = jnp.where(ge, hi, tau)
    tau = (lo + hi) / 2.0
    return jnp.square(jnp.maximum(s - tau[seg], 0.0))


def setup_inputs(seed: int = 0) -> dict:
    key = jax.random.key(seed)
    k1, k2, k3, k4, k5 = jax.random.split(key, 5)
    h = jax.random.normal(k1, (N_NODES, IN_DIM), dtype=jnp.float32)
    u = jax.random.normal(k2, (N_NODES, NUM_COMMUNITY), dtype=jnp.float32)
    edge_index = jax.random.randint(k3, (2, N_EDGES), 0, N_NODES, dtype=jnp.int32)
    W_fc = jax.random.normal(k4, (OUT_DIM, IN_DIM), dtype=jnp.float32) * (1.0 / np.sqrt(IN_DIM))
    W_attn2 = jax.random.normal(k5, (1, 2 * NUM_COMMUNITY), dtype=jnp.float32) * (1.0 / np.sqrt(2 * NUM_COMMUNITY))
    return {"h": h, "u": u, "edge_index": edge_index, "W_fc": W_fc, "W_attn2": W_attn2}


def reference(h, u, edge_index, W_fc, W_attn2):
    src = edge_index[0]
    dst = edge_index[1]
    n = h.shape[0]
    # z = self.fc(h)
    z = h @ W_fc.T
    # edge_attention: concat src/dst community features, attn_fc2, entmax over dim=1 (singleton)
    z2 = jnp.concatenate([u[src], u[dst]], axis=1)
    a = z2 @ W_attn2.T  # [E, 1]
    e = entmax15(a, axis=1)  # entmax over a size-1 dim -> ones, matching torch semantics
    # reduce_func: alpha = entmax over mailbox (neighbors of each dst node)
    alpha = segment_entmax15(e[:, 0], dst, n)[:, None]
    # h = sum(alpha * z_src * e) over incoming edges
    h_out = jax.ops.segment_sum(alpha * z[src] * e, dst, num_segments=n)
    return h_out

if __name__ == "__main__":
    import jax
    _d = setup_inputs()
    print(jax.jit(kernel)(*tuple(_d.values())))

</pallas_src>

<mosaic_0001>
#map = affine_map<(d0, d1) -> (0, 0)>
module attributes {stable_mosaic.version = 14 : i64} {
  func.func @_agg_body(%arg0: i32, %arg1: i32, %arg2: memref<10000x128xf32, #tpu.memory_space<hbm>>, %arg3: memref<3360x96xi32, #tpu.memory_space<hbm>>, %arg4: memref<3360x96xi32, #tpu.memory_space<hbm>>, %arg5: memref<10000x128xf32, #tpu.memory_space<hbm>>, %arg6: memref<10000x16xf32, #tpu.memory_space<hbm>>, %arg7: memref<30x96xi32, #tpu.memory_space<vmem>>, %arg8: memref<30x96xi32, #tpu.memory_space<vmem>>, %arg9: memref<96x128xf32, #tpu.memory_space<vmem>>, %arg10: memref<96x128xf32, #tpu.memory_space<vmem>>, %arg11: memref<96x16xf32, #tpu.memory_space<vmem>>, %arg12: memref<16x128xf32, #tpu.memory_space<vmem>>, %arg13: memref<16x16xf32, #tpu.memory_space<vmem>>, %arg14: memref<10032x128xf32, #tpu.memory_space<vmem_shared>>, %arg15: memref<10032x16xf32, #tpu.memory_space<vmem_shared>>, %arg16: memref<!tpu.dma_semaphore, #tpu.memory_space<semaphore_mem>>, %arg17: memref<!tpu.dma_semaphore, #tpu.memory_space<semaphore_mem>>, %arg18: memref<!tpu.dma_semaphore, #tpu.memory_space<semaphore_mem>>, %arg19: memref<!tpu.dma_semaphore, #tpu.memory_space<semaphore_mem>>, %arg20: memref<!tpu.dma_semaphore, #tpu.memory_space<semaphore_mem>>, %arg21: memref<!tpu.dma_semaphore, #tpu.memory_space<semaphore_mem>>) attributes {dimension_semantics = [#tpu.dimension_semantics<core_parallel>, #tpu.dimension_semantics<subcore_parallel>], iteration_bounds = array<i64: 1, 16>, scalar_prefetch = 0 : i64, scratch_operands = 15 : i64, tpu.core_type = #tpu.core_type<sc_vector_subcore>, window_params = [{transform_indices = #map}, {transform_indices = #map}, {transform_indices = #map}, {transform_indices = #map}, {transform_indices = #map}]} {
    %mul3A = arith.constant 16 : i32
    %mul3A_0 = arith.muli %arg0, %mul3A : i32
    %add3A = arith.addi %mul3A_0, %arg1 : i32
    %scan3A = arith.constant 0 : i32
    %scan3A_1 = arith.constant 96 : i32
    %scan3A_2 = arith.addi %scan3A, %scan3A_1 : i32
    %scan3A_3 = arith.constant 1 : i32
    scf.for %scan3A_35 = %scan3A to %scan3A_2 step %scan3A_3  : i32 {
      %mul3A_36 = arith.constant 1 : i32
      %mul3A_37 = arith.muli %scan3A_35, %mul3A_36 : i32
      %add3A_38 = arith.constant 0 : i32
      %add3A_39 = arith.addi %add3A_38, %mul3A_37 : i32
      %broadcast_in_dim3A = arith.constant 1.000000e+00 : f32
      %broadcast_in_dim3A_40 = vector.broadcast %broadcast_in_dim3A : f32 to vector<16xf32>
      %swap3A = arith.index_cast %add3A_39 : i32 to index
      %swap3A_41 = arith.constant 0 : index
      %swap3A_42 = tpu.vector_load %arg11[%swap3A, %swap3A_41] {strides = array<i32>} : memref<96x16xf32, #tpu.memory_space<vmem>>, vector<1x16xf32>,
      %swap3A_43 = vector.shape_cast %swap3A_42 : vector<1x16xf32> to vector<16xf32>
      %swap3A_44 = vector.shape_cast %broadcast_in_dim3A_40 : vector<16xf32> to vector<1x16xf32>
      tpu.vector_store %arg11[%swap3A, %swap3A_41], %swap3A_44 {strides = array<i32>} : memref<96x16xf32, #tpu.memory_space<vmem>>, vector<1x16xf32>,
    }
    %scan3A_4 = arith.constant 96 : i32
    %scan3A_5 = arith.constant 0 : i32
    %scan3A_6 = arith.constant 16 : i32
    %scan3A_7 = arith.addi %scan3A_5, %scan3A_6 : i32
    %scan3A_8 = arith.constant 1 : i32
    scf.for %scan3A_35 = %scan3A_5 to %scan3A_7 step %scan3A_8  : i32 {
      %mul3A_36 = arith.constant 1 : i32
      %mul3A_37 = arith.muli %scan3A_35, %mul3A_36 : i32
      %add3A_38 = arith.constant 0 : i32
      %add3A_39 = arith.addi %add3A_38, %mul3A_37 : i32
      %broadcast_in_dim3A = arith.constant 0.000000e+00 : f32
      %broadcast_in_dim3A_40 = vector.broadcast %broadcast_in_dim3A : f32 to vector<16xf32>
      %swap3A = arith.index_cast %add3A_39 : i32 to index
      %swap3A_41 = arith.constant 0 : index
      %swap3A_42 = tpu.vector_load %arg13[%swap3A, %swap3A_41] {strides = array<i32>} : memref<16x16xf32, #tpu.memory_space<vmem>>, vector<1x16xf32>,
      %swap3A_43 = vector.shape_cast %swap3A_42 : vector<1x16xf32> to vector<16xf32>
      %swap3A_44 = vector.shape_cast %broadcast_in_dim3A_40 : vector<16xf32> to vector<1x16xf32>
      tpu.vector_store %arg13[%swap3A, %swap3A_41], %swap3A_44 {strides = array<i32>} : memref<16x16xf32, #tpu.memory_space<vmem>>, vector<1x16xf32>,
      %scan3A_45 = arith.constant 0 : i32
      %scan3A_46 = arith.constant 8 : i32
      %scan3A_47 = arith.addi %scan3A_45, %scan3A_46 : i32
      %scan3A_48 = arith.constant 1 : i32
      scf.for %scan3A_50 = %scan3A_45 to %scan3A_47 step %scan3A_48  : i32 {
        %mul3A_51 = arith.constant 16 : i32
        %mul3A_52 = arith.muli %scan3A_50, %mul3A_51 : i32
        %add3A_53 = arith.constant 0 : i32
        %add3A_54 = arith.addi %add3A_53, %mul3A_52 : i32
        %broadcast_in_dim3A_55 = arith.constant 0.000000e+00 : f32
        %broadcast_in_dim3A_56 = vector.broadcast %broadcast_in_dim3A_55 : f32 to vector<16xf32>
        %swap3A_57 = arith.index_cast %add3A_39 : i32 to index
        %swap3A_58 = arith.index_cast %add3A_54 : i32 to index
        %swap3A_59 = tpu.vector_load %arg12[%swap3A_57, %swap3A_58] {strides = array<i32>} : memref<16x128xf32, #tpu.memory_space<vmem>>, vector<1x16xf32>,
        %swap3A_60 = vector.shape_cast %swap3A_59 : vector<1x16xf32> to vector<16xf32>
        %swap3A_61 = vector.shape_cast %broadcast_in_dim3A_56 : vector<16xf32> to vector<1x16xf32>
        tpu.vector_store %arg12[%swap3A_57, %swap3A_58], %swap3A_61 {strides = array<i32>} : memref<16x128xf32, #tpu.memory_space<vmem>>, vector<1x16xf32>,
      }
      %scan3A_49 = arith.constant 8 : i32
    }
    %scan3A_9 = arith.constant 16 : i32
    %mul3A_10 = arith.constant 624 : i32
    %mul3A_11 = arith.muli %arg1, %mul3A_10 : i32
    %scan3A_12 = arith.constant 0 : i32
    %scan3A_13 = arith.constant 39 : i32
    %scan3A_14 = arith.addi %scan3A_12, %scan3A_13 : i32
    %scan3A_15 = arith.constant 1 : i32
    scf.for %scan3A_35 = %scan3A_12 to %scan3A_14 step %scan3A_15  : i32 {
      %mul3A_36 = arith.constant 1 : i32
      %mul3A_37 = arith.muli %scan3A_35, %mul3A_36 : i32
      %add3A_38 = arith.constant 0 : i32
      %add3A_39 = arith.addi %add3A_38, %mul3A_37 : i32
      %mul3A_40 = arith.constant 16 : i32
      %mul3A_41 = arith.muli %add3A_39, %mul3A_40 : i32
      %add3A_42 = arith.addi %mul3A_11, %mul3A_41 : i32
      "tpu.region"() ({
        %run_scoped3A = tpu.sem_alloc : memref<!tpu.dma_semaphore, #tpu.memory_space<semaphore_mem>>
        %dma_start3A = arith.constant 0 : i32
        %dma_start3A_46 = tpu.memref_slice %arg14[%add3A_42, %dma_start3A] : memref<10032x128xf32, #tpu.memory_space<vmem_shared>> -> memref<16x128xf32, #tpu.memory_space<vmem_shared>>
        %dma_start3A_47 = arith.constant 0 : i32
        %dma_start3A_48 = tpu.memref_slice %arg14[%add3A_42, %dma_start3A_47] : memref<10032x128xf32, #tpu.memory_space<vmem_shared>> -> memref<16x128xf32, #tpu.memory_space<vmem_shared>>
        tpu.enqueue_dma source(%arg12 : memref<16x128xf32, #tpu.memory_space<vmem>>) target(%dma_start3A_48 : memref<16x128xf32, #tpu.memory_space<vmem_shared>>) target_semaphore(%run_scoped3A : memref<!tpu.dma_semaphore, #tpu.memory_space<semaphore_mem>>)
        %dma_wait3A = arith.constant 0 : i32
        %dma_wait3A_49 = tpu.memref_slice %arg14[%add3A_42, %dma_wait3A] : memref<10032x128xf32, #tpu.memory_space<vmem_shared>> -> memref<16x128xf32, #tpu.memory_space<vmem_shared>>
        %dma_wait3A_50 = arith.constant 0 : i32
        %dma_wait3A_51 = tpu.memref_slice %arg14[%add3A_42, %dma_wait3A_50] : memref<10032x128xf32, #tpu.memory_space<vmem_shared>> -> memref<16x128xf32, #tpu.memory_space<vmem_shared>>
        tpu.wait_dma2 semaphore(%run_scoped3A : memref<!tpu.dma_semaphore, #tpu.memory_space<semaphore_mem>>) src(%arg12 : memref<16x128xf32, #tpu.memory_space<vmem>>) dst(%dma_wait3A_51 : memref<16x128xf32, #tpu.memory_space<vmem_shared>>)
        tpu.yield
      }) : () -> ()
      %mul3A_43 = arith.constant 16 : i32
      %mul3A_44 = arith.muli %add3A_39, %mul3A_43 : i32
      %add3A_45 = arith.addi %mul3A_11, %mul3A_44 : i32
      "tpu.region"() ({
        %run_scoped3A = tpu.sem_alloc : memref<!tpu.dma_semaphore, #tpu.memory_space<semaphore_mem>>
        %dma_start3A = arith.constant 0 : i32
        %dma_start3A_46 = tpu.memref_slice %arg15[%add3A_45, %dma_start3A] : memref<10032x16xf32, #tpu.memory_space<vmem_shared>> -> memref<16x16xf32, #tpu.memory_space<vmem_shared>>
        %dma_start3A_47 = arith.constant 0 : i32
        %dma_start3A_48 = tpu.memref_slice %arg15[%add3A_45, %dma_start3A_47] : memref<10032x16xf32, #tpu.memory_space<vmem_shared>> -> memref<16x16xf32, #tpu.memory_space<vmem_shared>>
        tpu.enqueue_dma source(%arg13 : memref<16x16xf32, #tpu.memory_space<vmem>>) target(%dma_start3A_48 : memref<16x16xf32, #tpu.memory_space<vmem_shared>>) target_semaphore(%run_scoped3A : memref<!tpu.dma_semaphore, #tpu.memory_space<semaphore_mem>>)
        %dma_wait3A = arith.constant 0 : i32
        %dma_wait3A_49 = tpu.memref_slice %arg15[%add3A_45, %dma_wait3A] : memref<10032x16xf32, #tpu.memory_space<vmem_shared>> -> memref<16x16xf32, #tpu.memory_space<vmem_shared>>
        %dma_wait3A_50 = arith.constant 0 : i32
        %dma_wait3A_51 = tpu.memref_slice %arg15[%add3A_45, %dma_wait3A_50] : memref<10032x16xf32, #tpu.memory_space<vmem_shared>> -> memref<16x16xf32, #tpu.memory_space<vmem_shared>>
        tpu.wait_dma2 semaphore(%run_scoped3A : memref<!tpu.dma_semaphore, #tpu.memory_space<semaphore_mem>>) src(%arg13 : memref<16x16xf32, #tpu.memory_space<vmem>>) dst(%dma_wait3A_51 : memref<16x16xf32, #tpu.memory_space<vmem_shared>>)
        tpu.yield
      }) : () -> ()
    }
    %scan3A_16 = arith.constant 39 : i32
    %eq3A = arith.constant 15 : i32
    %eq3A_17 = arith.cmpi eq, %arg1, %eq3A : i32
    %convert_element_type3A = arith.extui %eq3A_17 : i1 to i32
    %cond3A = arith.constant 0 : i32
    %cond3A_18 = arith.cmpi ne, %convert_element_type3A, %cond3A : i32
    scf.if %cond3A_18 {
      "tpu.region"() ({
        %run_scoped3A = tpu.sem_alloc : memref<!tpu.dma_semaphore, #tpu.memory_space<semaphore_mem>>
        %dma_start3A = arith.constant 0 : i32
        %dma_start3A_35 = arith.constant 0 : i32
        %dma_start3A_36 = tpu.memref_slice %arg12[%dma_start3A, %dma_start3A_35] : memref<16x128xf32, #tpu.memory_space<vmem>> -> memref<16x128xf32, #tpu.memory_space<vmem>>
        %dma_start3A_37 = arith.constant 9984 : i32
        %dma_start3A_38 = arith.constant 0 : i32
        %dma_start3A_39 = tpu.memref_slice %arg14[%dma_start3A_37, %dma_start3A_38] : memref<10032x128xf32, #tpu.memory_space<vmem_shared>> -> memref<16x128xf32, #tpu.memory_space<vmem_shared>>
        %dma_start3A_40 = arith.constant 9984 : i32
        %dma_start3A_41 = arith.constant 0 : i32
        %dma_start3A_42 = tpu.memref_slice %arg14[%dma_start3A_40, %dma_start3A_41] : memref<10032x128xf32, #tpu.memory_space<vmem_shared>> -> memref<16x128xf32, #tpu.memory_space<vmem_shared>>
        %dma_start3A_43 = arith.constant 0 : i32
        %dma_start3A_44 = arith.constant 0 : i32
        %dma_start3A_45 = tpu.memref_slice %arg12[%dma_start3A_43, %dma_start3A_44] : memref<16x128xf32, #tpu.memory_space<vmem>> -> memref<16x128xf32, #tpu.memory_space<vmem>>
        tpu.enqueue_dma source(%dma_start3A_45 : memref<16x128xf32, #tpu.memory_space<vmem>>) target(%dma_start3A_42 : memref<16x128xf32, #tpu.memory_space<vmem_shared>>) target_semaphore(%run_scoped3A : memref<!tpu.dma_semaphore, #tpu.memory_space<semaphore_mem>>)
        %dma_wait3A = arith.constant 0 : i32
        %dma_wait3A_46 = arith.constant 0 : i32
        %dma_wait3A_47 = tpu.memref_slice %arg12[%dma_wait3A, %dma_wait3A_46] : memref<16x128xf32, #tpu.memory_space<vmem>> -> memref<16x128xf32, #tpu.memory_space<vmem>>
        %dma_wait3A_48 = arith.constant 9984 : i32
        %dma_wait3A_49 = arith.constant 0 : i32
        %dma_wait3A_50 = tpu.memref_slice %arg14[%dma_wait3A_48, %dma_wait3A_49] : memref<10032x128xf32, #tpu.memory_space<vmem_shared>> -> memref<16x128xf32, #tpu.memory_space<vmem_shared>>
        %dma_wait3A_51 = arith.constant 9984 : i32
        %dma_wait3A_52 = arith.constant 0 : i32
        %dma_wait3A_53 = tpu.memref_slice %arg14[%dma_wait3A_51, %dma_wait3A_52] : memref<10032x128xf32, #tpu.memory_space<vmem_shared>> -> memref<16x128xf32, #tpu.memory_space<vmem_shared>>
        %dma_wait3A_54 = arith.constant 0 : i32
        %dma_wait3A_55 = arith.constant 0 : i32
        %dma_wait3A_56 = tpu.memref_slice %arg12[%dma_wait3A_54, %dma_wait3A_55] : memref<16x128xf32, #tpu.memory_space<vmem>> -> memref<16x128xf32, #tpu.memory_space<vmem>>
        tpu.wait_dma2 semaphore(%run_scoped3A : memref<!tpu.dma_semaphore, #tpu.memory_space<semaphore_mem>>) src(%dma_wait3A_56 : memref<16x128xf32, #tpu.memory_space<vmem>>) dst(%dma_wait3A_53 : memref<16x128xf32, #tpu.memory_space<vmem_shared>>)
        tpu.yield
      }) : () -> ()
      "tpu.region"() ({
        %run_scoped3A = tpu.sem_alloc : memref<!tpu.dma_semaphore, #tpu.memory_space<semaphore_mem>>
        %dma_start3A = arith.constant 0 : i32
        %dma_start3A_35 = arith.constant 0 : i32
        %dma_start3A_36 = tpu.memref_slice %arg13[%dma_start3A, %dma_start3A_35] : memref<16x16xf32, #tpu.memory_space<vmem>> -> memref<16x16xf32, #tpu.memory_space<vmem>>
        %dma_start3A_37 = arith.constant 9984 : i32
        %dma_start3A_38 = arith.constant 0 : i32
        %dma_start3A_39 = tpu.memref_slice %arg15[%dma_start3A_37, %dma_start3A_38] : memref<10032x16xf32, #tpu.memory_space<vmem_shared>> -> memref<16x16xf32, #tpu.memory_space<vmem_shared>>
        %dma_start3A_40 = arith.constant 9984 : i32
        %dma_start3A_41 = arith.constant 0 : i32
        %dma_start3A_42 = tpu.memref_slice %arg15[%dma_start3A_40, %dma_start3A_41] : memref<10032x16xf32, #tpu.memory_space<vmem_shared>> -> memref<16x16xf32, #tpu.memory_space<vmem_shared>>
        %dma_start3A_43 = arith.constant 0 : i32
        %dma_start3A_44 = arith.constant 0 : i32
        %dma_start3A_45 = tpu.memref_slice %arg13[%dma_start3A_43, %dma_start3A_44] : memref<16x16xf32, #tpu.memory_space<vmem>> -> memref<16x16xf32, #tpu.memory_space<vmem>>
        tpu.enqueue_dma source(%dma_start3A_45 : memref<16x16xf32, #tpu.memory_space<vmem>>) target(%dma_start3A_42 : memref<16x16xf32, #tpu.memory_space<vmem_shared>>) target_semaphore(%run_scoped3A : memref<!tpu.dma_semaphore, #tpu.memory_space<semaphore_mem>>)
        %dma_wait3A = arith.constant 0 : i32
        %dma_wait3A_46 = arith.constant 0 : i32
        %dma_wait3A_47 = tpu.memref_slice %arg13[%dma_wait3A, %dma_wait3A_46] : memref<16x16xf32, #tpu.memory_space<vmem>> -> memref<16x16xf32, #tpu.memory_space<vmem>>
        %dma_wait3A_48 = arith.constant 9984 : i32
        %dma_wait3A_49 = arith.constant 0 : i32
        %dma_wait3A_50 = tpu.memref_slice %arg15[%dma_wait3A_48, %dma_wait3A_49] : memref<10032x16xf32, #tpu.memory_space<vmem_shared>> -> memref<16x16xf32, #tpu.memory_space<vmem_shared>>
        %dma_wait3A_51 = arith.constant 9984 : i32
        %dma_wait3A_52 = arith.constant 0 : i32
        %dma_wait3A_53 = tpu.memref_slice %arg15[%dma_wait3A_51, %dma_wait3A_52] : memref<10032x16xf32, #tpu.memory_space<vmem_shared>> -> memref<16x16xf32, #tpu.memory_space<vmem_shared>>
        %dma_wait3A_54 = arith.constant 0 : i32
        %dma_wait3A_55 = arith.constant 0 : i32
        %dma_wait3A_56 = tpu.memref_slice %arg13[%dma_wait3A_54, %dma_wait3A_55] : memref<16x16xf32, #tpu.memory_space<vmem>> -> memref<16x16xf32, #tpu.memory_space<vmem>>
        tpu.wait_dma2 semaphore(%run_scoped3A : memref<!tpu.dma_semaphore, #tpu.memory_space<semaphore_mem>>) src(%dma_wait3A_56 : memref<16x16xf32, #tpu.memory_space<vmem>>) dst(%dma_wait3A_53 : memref<16x16xf32, #tpu.memory_space<vmem_shared>>)
        tpu.yield
      }) : () -> ()
    } else {
    }
    %barrier3A = arith.constant 0 : index
    tpu.barrier barrier_id(%barrier3A)
    %mul3A_19 = arith.constant 210 : i32
    %mul3A_20 = arith.muli %add3A, %mul3A_19 : i32
    %scan3A_21 = arith.constant 0 : i32
    %scan3A_22 = arith.constant 7 : i32
    %scan3A_23 = arith.addi %scan3A_21, %scan3A_22 : i32
    %scan3A_24 = arith.constant 1 : i32
    scf.for %scan3A_35 = %scan3A_21 to %scan3A_23 step %scan3A_24  : i32 {
      %mul3A_36 = arith.constant 1 : i32
      %mul3A_37 = arith.muli %scan3A_35, %mul3A_36 : i32
      %add3A_38 = arith.constant 0 : i32
      %add3A_39 = arith.addi %add3A_38, %mul3A_37 : i32
      %mul3A_40 = arith.constant 30 : i32
      %mul3A_41 = arith.muli %add3A_39, %mul3A_40 : i32
      %add3A_42 = arith.addi %mul3A_20, %mul3A_41 : i32
      "tpu.region"() ({
        %run_scoped3A = tpu.sem_alloc : memref<!tpu.dma_semaphore, #tpu.memory_space<semaphore_mem>>
        %dma_start3A = arith.constant 0 : i32
        %dma_start3A_51 = tpu.memref_slice %arg3[%add3A_42, %dma_start3A] : memref<3360x96xi32, #tpu.memory_space<hbm>> -> memref<30x96xi32, #tpu.memory_space<hbm>>
        %dma_start3A_52 = arith.constant 0 : i32
        %dma_start3A_53 = tpu.memref_slice %arg3[%add3A_42, %dma_start3A_52] : memref<3360x96xi32, #tpu.memory_space<hbm>> -> memref<30x96xi32, #tpu.memory_space<hbm>>
        tpu.enqueue_dma source(%dma_start3A_53 : memref<30x96xi32, #tpu.memory_space<hbm>>) target(%arg7 : memref<30x96xi32, #tpu.memory_space<vmem>>) target_semaphore(%run_scoped3A : memref<!tpu.dma_semaphore, #tpu.memory_space<semaphore_mem>>)
        %dma_wait3A = arith.constant 0 : i32
        %dma_wait3A_54 = tpu.memref_slice %arg3[%add3A_42, %dma_wait3A] : memref<3360x96xi32, #tpu.memory_space<hbm>> -> memref<30x96xi32, #tpu.memory_space<hbm>>
        %dma_wait3A_55 = arith.constant 0 : i32
        %dma_wait3A_56 = tpu.memref_slice %arg3[%add3A_42, %dma_wait3A_55] : memref<3360x96xi32, #tpu.memory_space<hbm>> -> memref<30x96xi32, #tpu.memory_space<hbm>>
        tpu.wait_dma2 semaphore(%run_scoped3A : memref<!tpu.dma_semaphore, #tpu.memory_space<semaphore_mem>>) src(%dma_wait3A_56 : memref<30x96xi32, #tpu.memory_space<hbm>>) dst(%arg7 : memref<30x96xi32, #tpu.memory_space<vmem>>)
        tpu.yield
      }) : () -> ()
      %mul3A_43 = arith.constant 30 : i32
      %mul3A_44 = arith.muli %add3A_39, %mul3A_43 : i32
      %add3A_45 = arith.addi %mul3A_20, %mul3A_44 : i32
      "tpu.region"() ({
        %run_scoped3A = tpu.sem_alloc : memref<!tpu.dma_semaphore, #tpu.memory_space<semaphore_mem>>
        %dma_start3A = arith.constant 0 : i32
        %dma_start3A_51 = tpu.memref_slice %arg4[%add3A_45, %dma_start3A] : memref<3360x96xi32, #tpu.memory_space<hbm>> -> memref<30x96xi32, #tpu.memory_space<hbm>>
        %dma_start3A_52 = arith.constant 0 : i32
        %dma_start3A_53 = tpu.memref_slice %arg4[%add3A_45, %dma_start3A_52] : memref<3360x96xi32, #tpu.memory_space<hbm>> -> memref<30x96xi32, #tpu.memory_space<hbm>>
        tpu.enqueue_dma source(%dma_start3A_53 : memref<30x96xi32, #tpu.memory_space<hbm>>) target(%arg8 : memref<30x96xi32, #tpu.memory_space<vmem>>) target_semaphore(%run_scoped3A : memref<!tpu.dma_semaphore, #tpu.memory_space<semaphore_mem>>)
        %dma_wait3A = arith.constant 0 : i32
        %dma_wait3A_54 = tpu.memref_slice %arg4[%add3A_45, %dma_wait3A] : memref<3360x96xi32, #tpu.memory_space<hbm>> -> memref<30x96xi32, #tpu.memory_space<hbm>>
        %dma_wait3A_55 = arith.constant 0 : i32
        %dma_wait3A_56 = tpu.memref_slice %arg4[%add3A_45, %dma_wait3A_55] : memref<3360x96xi32, #tpu.memory_space<hbm>> -> memref<30x96xi32, #tpu.memory_space<hbm>>
        tpu.wait_dma2 semaphore(%run_scoped3A : memref<!tpu.dma_semaphore, #tpu.memory_space<semaphore_mem>>) src(%dma_wait3A_56 : memref<30x96xi32, #tpu.memory_space<hbm>>) dst(%arg8 : memref<30x96xi32, #tpu.memory_space<vmem>>)
        tpu.yield
      }) : () -> ()
      %scan3A_46 = arith.constant 0 : i32
      %scan3A_47 = arith.constant 15 : i32
      %scan3A_48 = arith.addi %scan3A_46, %scan3A_47 : i32
      %scan3A_49 = arith.constant 1 : i32
      scf.for %scan3A_51 = %scan3A_46 to %scan3A_48 step %scan3A_49  : i32 {
        %mul3A_52 = arith.constant 2 : i32
        %mul3A_53 = arith.muli %scan3A_51, %mul3A_52 : i32
        %add3A_54 = arith.constant 0 : i32
        %add3A_55 = arith.addi %add3A_54, %mul3A_53 : i32
        %dma_start3A = arith.constant 0 : i32
        %dma_start3A_56 = tpu.memref_slice %arg7[%add3A_55, %dma_start3A] : memref<30x96xi32, #tpu.memory_space<vmem>> -> memref<1x96xi32, #tpu.memory_space<vmem>>
        %dma_start3A_57 = tpu.memref_squeeze %dma_start3A_56 : memref<1x96xi32, #tpu.memory_space<vmem>> -> memref<96xi32, #tpu.memory_space<vmem>>
        %dma_start3A_58 = arith.constant 0 : i32
        %dma_start3A_59 = arith.constant 0 : i32
        %dma_start3A_60 = tpu.memref_slice %arg2[%dma_start3A_58, %dma_start3A_59] : memref<10000x128xf32, #tpu.memory_space<hbm>> -> memref<10000x128xf32, #tpu.memory_space<hbm>>
        tpu.enqueue_indirect_dma source(%dma_start3A_60 : memref<10000x128xf32, #tpu.memory_space<hbm>>) target(%arg9 : memref<96x128xf32, #tpu.memory_space<vmem>>) offsets(%dma_start3A_57 : memref<96xi32, #tpu.memory_space<vmem>>) semaphore(%arg16 : memref<!tpu.dma_semaphore, #tpu.memory_space<semaphore_mem>>)
        %add3A_61 = arith.constant 1 : i32
        %add3A_62 = arith.addi %add3A_55, %add3A_61 : i32
        %dma_start3A_63 = arith.constant 0 : i32
        %dma_start3A_64 = tpu.memref_slice %arg7[%add3A_62, %dma_start3A_63] : memref<30x96xi32, #tpu.memory_space<vmem>> -> memref<1x96xi32, #tpu.memory_space<vmem>>
        %dma_start3A_65 = tpu.memref_squeeze %dma_start3A_64 : memref<1x96xi32, #tpu.memory_space<vmem>> -> memref<96xi32, #tpu.memory_space<vmem>>
        %dma_start3A_66 = arith.constant 0 : i32
        %dma_start3A_67 = arith.constant 0 : i32
        %dma_start3A_68 = tpu.memref_slice %arg2[%dma_start3A_66, %dma_start3A_67] : memref<10000x128xf32, #tpu.memory_space<hbm>> -> memref<10000x128xf32, #tpu.memory_space<hbm>>
        tpu.enqueue_indirect_dma source(%dma_start3A_68 : memref<10000x128xf32, #tpu.memory_space<hbm>>) target(%arg10 : memref<96x128xf32, #tpu.memory_space<vmem>>) offsets(%dma_start3A_65 : memref<96xi32, #tpu.memory_space<vmem>>) semaphore(%arg17 : memref<!tpu.dma_semaphore, #tpu.memory_space<semaphore_mem>>)
        %dma_wait3A = arith.constant 0 : i32
        %dma_wait3A_69 = tpu.memref_slice %arg7[%add3A_55, %dma_wait3A] : memref<30x96xi32, #tpu.memory_space<vmem>> -> memref<1x96xi32, #tpu.memory_space<vmem>>
        %dma_wait3A_70 = tpu.memref_squeeze %dma_wait3A_69 : memref<1x96xi32, #tpu.memory_space<vmem>> -> memref<96xi32, #tpu.memory_space<vmem>>
        %dma_wait3A_71 = arith.constant 0 : i32
        %dma_wait3A_72 = arith.constant 0 : i32
        %dma_wait3A_73 = tpu.memref_slice %arg2[%dma_wait3A_71, %dma_wait3A_72] : memref<10000x128xf32, #tpu.memory_space<hbm>> -> memref<10000x128xf32, #tpu.memory_space<hbm>>
        tpu.wait_indirect_dma semaphore(%arg16 : memref<!tpu.dma_semaphore, #tpu.memory_space<semaphore_mem>>) src(%dma_wait3A_73 : memref<10000x128xf32, #tpu.memory_space<hbm>>) dst(%arg9 : memref<96x128xf32, #tpu.memory_space<vmem>>)
        %dma_start3A_74 = arith.constant 0 : i32
        %dma_start3A_75 = tpu.memref_slice %arg8[%add3A_55, %dma_start3A_74] : memref<30x96xi32, #tpu.memory_space<vmem>> -> memref<1x96xi32, #tpu.memory_space<vmem>>
        %dma_start3A_76 = tpu.memref_squeeze %dma_start3A_75 : memref<1x96xi32, #tpu.memory_space<vmem>> -> memref<96xi32, #tpu.memory_space<vmem>>
        %dma_start3A_77 = arith.constant 0 : i32
        %dma_start3A_78 = arith.constant 0 : i32
        %dma_start3A_79 = tpu.memref_slice %arg14[%dma_start3A_77, %dma_start3A_78] : memref<10032x128xf32, #tpu.memory_space<vmem_shared>> -> memref<10032x128xf32, #tpu.memory_space<vmem_shared>>
        tpu.enqueue_indirect_dma source(%arg9 : memref<96x128xf32, #tpu.memory_space<vmem>>) target(%dma_start3A_79 : memref<10032x128xf32, #tpu.memory_space<vmem_shared>>) offsets(%dma_start3A_76 : memref<96xi32, #tpu.memory_space<vmem>>) semaphore(%arg18 : memref<!tpu.dma_semaphore, #tpu.memory_space<semaphore_mem>>) {add = true}
        %dma_start3A_80 = arith.constant 0 : i32
        %dma_start3A_81 = tpu.memref_slice %arg8[%add3A_55, %dma_start3A_80] : memref<30x96xi32, #tpu.memory_space<vmem>> -> memref<1x96xi32, #tpu.memory_space<vmem>>
        %dma_start3A_82 = tpu.memref_squeeze %dma_start3A_81 : memref<1x96xi32, #tpu.memory_space<vmem>> -> memref<96xi32, #tpu.memory_space<vmem>>
        %dma_start3A_83 = arith.constant 0 : i32
        %dma_start3A_84 = arith.constant 0 : i32
        %dma_start3A_85 = tpu.memref_slice %arg15[%dma_start3A_83, %dma_start3A_84] : memref<10032x16xf32, #tpu.memory_space<vmem_shared>> -> memref<10032x16xf32, #tpu.memory_space<vmem_shared>>
        tpu.enqueue_indirect_dma source(%arg11 : memref<96x16xf32, #tpu.memory_space<vmem>>) target(%dma_start3A_85 : memref<10032x16xf32, #tpu.memory_space<vmem_shared>>) offsets(%dma_start3A_82 : memref<96xi32, #tpu.memory_space<vmem>>) semaphore(%arg20 : memref<!tpu.dma_semaphore, #tpu.memory_space<semaphore_mem>>) {add = true}
        %dma_wait3A_86 = arith.constant 0 : i32
        %dma_wait3A_87 = tpu.memref_slice %arg7[%add3A_62, %dma_wait3A_86] : memref<30x96xi32, #tpu.memory_space<vmem>> -> memref<1x96xi32, #tpu.memory_space<vmem>>
        %dma_wait3A_88 = tpu.memref_squeeze %dma_wait3A_87 : memref<1x96xi32, #tpu.memory_space<vmem>> -> memref<96xi32, #tpu.memory_space<vmem>>
        %dma_wait3A_89 = arith.constant 0 : i32
        %dma_wait3A_90 = arith.constant 0 : i32
        %dma_wait3A_91 = tpu.memref_slice %arg2[%dma_wait3A_89, %dma_wait3A_90] : memref<10000x128xf32, #tpu.memory_space<hbm>> -> memref<10000x128xf32, #tpu.memory_space<hbm>>
        tpu.wait_indirect_dma semaphore(%arg17 : memref<!tpu.dma_semaphore, #tpu.memory_space<semaphore_mem>>) src(%dma_wait3A_91 : memref<10000x128xf32, #tpu.memory_space<hbm>>) dst(%arg10 : memref<96x128xf32, #tpu.memory_space<vmem>>)
        %add3A_92 = arith.constant 1 : i32
        %add3A_93 = arith.addi %add3A_55, %add3A_92 : i32
        %dma_start3A_94 = arith.constant 0 : i32
        %dma_start3A_95 = tpu.memref_slice %arg8[%add3A_93, %dma_start3A_94] : memref<30x96xi32, #tpu.memory_space<vmem>> -> memref<1x96xi32, #tpu.memory_space<vmem>>
        %dma_start3A_96 = tpu.memref_squeeze %dma_start3A_95 : memref<1x96xi32, #tpu.memory_space<vmem>> -> memref<96xi32, #tpu.memory_space<vmem>>
        %dma_start3A_97 = arith.constant 0 : i32
        %dma_start3A_98 = arith.constant 0 : i32
        %dma_start3A_99 = tpu.memref_slice %arg14[%dma_start3A_97, %dma_start3A_98] : memref<10032x128xf32, #tpu.memory_space<vmem_shared>> -> memref<10032x128xf32, #tpu.memory_space<vmem_shared>>
        tpu.enqueue_indirect_dma source(%arg10 : memref<96x128xf32, #tpu.memory_space<vmem>>) target(%dma_start3A_99 : memref<10032x128xf32, #tpu.memory_space<vmem_shared>>) offsets(%dma_start3A_96 : memref<96xi32, #tpu.memory_space<vmem>>) semaphore(%arg19 : memref<!tpu.dma_semaphore, #tpu.memory_space<semaphore_mem>>) {add = true}
        %add3A_100 = arith.constant 1 : i32
        %add3A_101 = arith.addi %add3A_55, %add3A_100 : i32
        %dma_start3A_102 = arith.constant 0 : i32
        %dma_start3A_103 = tpu.memref_slice %arg8[%add3A_101, %dma_start3A_102] : memref<30x96xi32, #tpu.memory_space<vmem>> -> memref<1x96xi32, #tpu.memory_space<vmem>>
        %dma_start3A_104 = tpu.memref_squeeze %dma_start3A_103 : memref<1x96xi32, #tpu.memory_space<vmem>> -> memref<96xi32, #tpu.memory_space<vmem>>
        %dma_start3A_105 = arith.constant 0 : i32
        %dma_start3A_106 = arith.constant 0 : i32
        %dma_start3A_107 = tpu.memref_slice %arg15[%dma_start3A_105, %dma_start3A_106] : memref<10032x16xf32, #tpu.memory_space<vmem_shared>> -> memref<10032x16xf32, #tpu.memory_space<vmem_shared>>
        tpu.enqueue_indirect_dma source(%arg11 : memref<96x16xf32, #tpu.memory_space<vmem>>) target(%dma_start3A_107 : memref<10032x16xf32, #tpu.memory_space<vmem_shared>>) offsets(%dma_start3A_104 : memref<96xi32, #tpu.memory_space<vmem>>) semaphore(%arg21 : memref<!tpu.dma_semaphore, #tpu.memory_space<semaphore_mem>>) {add = true}
        %dma_wait3A_108 = arith.constant 0 : i32
        %dma_wait3A_109 = tpu.memref_slice %arg8[%add3A_55, %dma_wait3A_108] : memref<30x96xi32, #tpu.memory_space<vmem>> -> memref<1x96xi32, #tpu.memory_space<vmem>>
        %dma_wait3A_110 = tpu.memref_squeeze %dma_wait3A_109 : memref<1x96xi32, #tpu.memory_space<vmem>> -> memref<96xi32, #tpu.memory_space<vmem>>
        %dma_wait3A_111 = arith.constant 0 : i32
        %dma_wait3A_112 = arith.constant 0 : i32
        %dma_wait3A_113 = tpu.memref_slice %arg14[%dma_wait3A_111, %dma_wait3A_112] : memref<10032x128xf32, #tpu.memory_space<vmem_shared>> -> memref<10032x128xf32, #tpu.memory_space<vmem_shared>>
        tpu.wait_indirect_dma semaphore(%arg18 : memref<!tpu.dma_semaphore, #tpu.memory_space<semaphore_mem>>) src(%arg9 : memref<96x128xf32, #tpu.memory_space<vmem>>) dst(%dma_wait3A_113 : memref<10032x128xf32, #tpu.memory_space<vmem_shared>>)
        %dma_wait3A_114 = arith.constant 0 : i32
        %dma_wait3A_115 = tpu.memref_slice %arg8[%add3A_55, %dma_wait3A_114] : memref<30x96xi32, #tpu.memory_space<vmem>> -> memref<1x96xi32, #tpu.memory_space<vmem>>
        %dma_wait3A_116 = tpu.memref_squeeze %dma_wait3A_115 : memref<1x96xi32, #tpu.memory_space<vmem>> -> memref<96xi32, #tpu.memory_space<vmem>>
        %dma_wait3A_117 = arith.constant 0 : i32
        %dma_wait3A_118 = arith.constant 0 : i32
        %dma_wait3A_119 = tpu.memref_slice %arg15[%dma_wait3A_117, %dma_wait3A_118] : memref<10032x16xf32, #tpu.memory_space<vmem_shared>> -> memref<10032x16xf32, #tpu.memory_space<vmem_shared>>
        tpu.wait_indirect_dma semaphore(%arg20 : memref<!tpu.dma_semaphore, #tpu.memory_space<semaphore_mem>>) src(%arg11 : memref<96x16xf32, #tpu.memory_space<vmem>>) dst(%dma_wait3A_119 : memref<10032x16xf32, #tpu.memory_space<vmem_shared>>)
        %dma_wait3A_120 = arith.constant 0 : i32
        %dma_wait3A_121 = tpu.memref_slice %arg8[%add3A_93, %dma_wait3A_120] : memref<30x96xi32, #tpu.memory_space<vmem>> -> memref<1x96xi32, #tpu.memory_space<vmem>>
        %dma_wait3A_122 = tpu.memref_squeeze %dma_wait3A_121 : memref<1x96xi32, #tpu.memory_space<vmem>> -> memref<96xi32, #tpu.memory_space<vmem>>
        %dma_wait3A_123 = arith.constant 0 : i32
        %dma_wait3A_124 = arith.constant 0 : i32
        %dma_wait3A_125 = tpu.memref_slice %arg14[%dma_wait3A_123, %dma_wait3A_124] : memref<10032x128xf32, #tpu.memory_space<vmem_shared>> -> memref<10032x128xf32, #tpu.memory_space<vmem_shared>>
        tpu.wait_indirect_dma semaphore(%arg19 : memref<!tpu.dma_semaphore, #tpu.memory_space<semaphore_mem>>) src(%arg10 : memref<96x128xf32, #tpu.memory_space<vmem>>) dst(%dma_wait3A_125 : memref<10032x128xf32, #tpu.memory_space<vmem_shared>>)
        %dma_wait3A_126 = arith.constant 0 : i32
        %dma_wait3A_127 = tpu.memref_slice %arg8[%add3A_101, %dma_wait3A_126] : memref<30x96xi32, #tpu.memory_space<vmem>> -> memref<1x96xi32, #tpu.memory_space<vmem>>
        %dma_wait3A_128 = tpu.memref_squeeze %dma_wait3A_127 : memref<1x96xi32, #tpu.memory_space<vmem>> -> memref<96xi32, #tpu.memory_space<vmem>>
        %dma_wait3A_129 = arith.constant 0 : i32
        %dma_wait3A_130 = arith.constant 0 : i32
        %dma_wait3A_131 = tpu.memref_slice %arg15[%dma_wait3A_129, %dma_wait3A_130] : memref<10032x16xf32, #tpu.memory_space<vmem_shared>> -> memref<10032x16xf32, #tpu.memory_space<vmem_shared>>
        tpu.wait_indirect_dma semaphore(%arg21 : memref<!tpu.dma_semaphore, #tpu.memory_space<semaphore_mem>>) src(%arg11 : memref<96x16xf32, #tpu.memory_space<vmem>>) dst(%dma_wait3A_131 : memref<10032x16xf32, #tpu.memory_space<vmem_shared>>)
      }
      %scan3A_50 = arith.constant 15 : i32
    }
    %scan3A_25 = arith.constant 7 : i32
    %barrier3A_26 = arith.constant 0 : index
    tpu.barrier barrier_id(%barrier3A_26)
    %mul3A_27 = arith.constant 10000 : i32
    %mul3A_28 = arith.muli %arg0, %mul3A_27 : i32
    %add3A_29 = arith.addi %mul3A_28, %mul3A_11 : i32
    "tpu.region"() ({
      %run_scoped3A = tpu.sem_alloc : memref<!tpu.dma_semaphore, #tpu.memory_space<semaphore_mem>>
      %dma_start3A = arith.constant 0 : i32
      %dma_start3A_35 = tpu.memref_slice %arg5[%add3A_29, %dma_start3A] : memref<10000x128xf32, #tpu.memory_space<hbm>> -> memref<624x128xf32, #tpu.memory_space<hbm>>
      %dma_start3A_36 = arith.constant 0 : i32
      %dma_start3A_37 = tpu.memref_slice %arg14[%mul3A_11, %dma_start3A_36] : memref<10032x128xf32, #tpu.memory_space<vmem_shared>> -> memref<624x128xf32, #tpu.memory_space<vmem_shared>>
      tpu.enqueue_dma source(%dma_start3A_37 : memref<624x128xf32, #tpu.memory_space<vmem_shared>>) target(%dma_start3A_35 : memref<624x128xf32, #tpu.memory_space<hbm>>) target_semaphore(%run_scoped3A : memref<!tpu.dma_semaphore, #tpu.memory_space<semaphore_mem>>)
      %dma_wait3A = arith.constant 0 : i32
      %dma_wait3A_38 = tpu.memref_slice %arg5[%add3A_29, %dma_wait3A] : memref<10000x128xf32, #tpu.memory_space<hbm>> -> memref<624x128xf32, #tpu.memory_space<hbm>>
      %dma_wait3A_39 = arith.constant 0 : i32
      %dma_wait3A_40 = tpu.memref_slice %arg14[%mul3A_11, %dma_wait3A_39] : memref<10032x128xf32, #tpu.memory_space<vmem_shared>> -> memref<624x128xf32, #tpu.memory_space<vmem_shared>>
      tpu.wait_dma2 semaphore(%run_scoped3A : memref<!tpu.dma_semaphore, #tpu.memory_space<semaphore_mem>>) src(%dma_wait3A_40 : memref<624x128xf32, #tpu.memory_space<vmem_shared>>) dst(%dma_wait3A_38 : memref<624x128xf32, #tpu.memory_space<hbm>>)
      tpu.yield
    }) : () -> ()
    "tpu.region"() ({
      %run_scoped3A = tpu.sem_alloc : memref<!tpu.dma_semaphore, #tpu.memory_space<semaphore_mem>>
      %dma_start3A = arith.constant 0 : i32
      %dma_start3A_35 = tpu.memref_slice %arg6[%add3A_29, %dma_start3A] : memref<10000x16xf32, #tpu.memory_space<hbm>> -> memref<624x16xf32, #tpu.memory_space<hbm>>
      %dma_start3A_36 = arith.constant 0 : i32
      %dma_start3A_37 = tpu.memref_slice %arg15[%mul3A_11, %dma_start3A_36] : memref<10032x16xf32, #tpu.memory_space<vmem_shared>> -> memref<624x16xf32, #tpu.memory_space<vmem_shared>>
      tpu.enqueue_dma source(%dma_start3A_37 : memref<624x16xf32, #tpu.memory_space<vmem_shared>>) target(%dma_start3A_35 : memref<624x16xf32, #tpu.memory_space<hbm>>) target_semaphore(%run_scoped3A : memref<!tpu.dma_semaphore, #tpu.memory_space<semaphore_mem>>)
      %dma_wait3A = arith.constant 0 : i32
      %dma_wait3A_38 = tpu.memref_slice %arg6[%add3A_29, %dma_wait3A] : memref<10000x16xf32, #tpu.memory_space<hbm>> -> memref<624x16xf32, #tpu.memory_space<hbm>>
      %dma_wait3A_39 = arith.constant 0 : i32
      %dma_wait3A_40 = tpu.memref_slice %arg15[%mul3A_11, %dma_wait3A_39] : memref<10032x16xf32, #tpu.memory_space<vmem_shared>> -> memref<624x16xf32, #tpu.memory_space<vmem_shared>>
      tpu.wait_dma2 semaphore(%run_scoped3A : memref<!tpu.dma_semaphore, #tpu.memory_space<semaphore_mem>>) src(%dma_wait3A_40 : memref<624x16xf32, #tpu.memory_space<vmem_shared>>) dst(%dma_wait3A_38 : memref<624x16xf32, #tpu.memory_space<hbm>>)
      tpu.yield
    }) : () -> ()
    %eq3A_30 = arith.constant 15 : i32
    %eq3A_31 = arith.cmpi eq, %arg1, %eq3A_30 : i32
    %convert_element_type3A_32 = arith.extui %eq3A_31 : i1 to i32
    %cond3A_33 = arith.constant 0 : i32
    %cond3A_34 = arith.cmpi ne, %convert_element_type3A_32, %cond3A_33 : i32
    scf.if %cond3A_34 {
      %mul3A_35 = arith.constant 10000 : i32
      %mul3A_36 = arith.muli %arg0, %mul3A_35 : i32
      %add3A_37 = arith.constant 9984 : i32
      %add3A_38 = arith.addi %mul3A_36, %add3A_37 : i32
      "tpu.region"() ({
        %run_scoped3A = tpu.sem_alloc : memref<!tpu.dma_semaphore, #tpu.memory_space<semaphore_mem>>
        %dma_start3A = arith.constant 0 : i32
        %dma_start3A_43 = tpu.memref_slice %arg5[%add3A_38, %dma_start3A] : memref<10000x128xf32, #tpu.memory_space<hbm>> -> memref<16x128xf32, #tpu.memory_space<hbm>>
        %dma_start3A_44 = arith.constant 9984 : i32
        %dma_start3A_45 = arith.constant 0 : i32
        %dma_start3A_46 = tpu.memref_slice %arg14[%dma_start3A_44, %dma_start3A_45] : memref<10032x128xf32, #tpu.memory_space<vmem_shared>> -> memref<16x128xf32, #tpu.memory_space<vmem_shared>>
        tpu.enqueue_dma source(%dma_start3A_46 : memref<16x128xf32, #tpu.memory_space<vmem_shared>>) target(%dma_start3A_43 : memref<16x128xf32, #tpu.memory_space<hbm>>) target_semaphore(%run_scoped3A : memref<!tpu.dma_semaphore, #tpu.memory_space<semaphore_mem>>)
        %dma_wait3A = arith.constant 0 : i32
        %dma_wait3A_47 = tpu.memref_slice %arg5[%add3A_38, %dma_wait3A] : memref<10000x128xf32, #tpu.memory_space<hbm>> -> memref<16x128xf32, #tpu.memory_space<hbm>>
        %dma_wait3A_48 = arith.constant 9984 : i32
        %dma_wait3A_49 = arith.constant 0 : i32
        %dma_wait3A_50 = tpu.memref_slice %arg14[%dma_wait3A_48, %dma_wait3A_49] : memref<10032x128xf32, #tpu.memory_space<vmem_shared>> -> memref<16x128xf32, #tpu.memory_space<vmem_shared>>
        tpu.wait_dma2 semaphore(%run_scoped3A : memref<!tpu.dma_semaphore, #tpu.memory_space<semaphore_mem>>) src(%dma_wait3A_50 : memref<16x128xf32, #tpu.memory_space<vmem_shared>>) dst(%dma_wait3A_47 : memref<16x128xf32, #tpu.memory_space<hbm>>)
        tpu.yield
      }) : () -> ()
      %mul3A_39 = arith.constant 10000 : i32
      %mul3A_40 = arith.muli %arg0, %mul3A_39 : i32
      %add3A_41 = arith.constant 9984 : i32
      %add3A_42 = arith.addi %mul3A_40, %add3A_41 : i32
      "tpu.region"() ({
        %run_scoped3A = tpu.sem_alloc : memref<!tpu.dma_semaphore, #tpu.memory_space<semaphore_mem>>
        %dma_start3A = arith.constant 0 : i32
        %dma_start3A_43 = tpu.memref_slice %arg6[%add3A_42, %dma_start3A] : memref<10000x16xf32, #tpu.memory_space<hbm>> -> memref<16x16xf32, #tpu.memory_space<hbm>>
        %dma_start3A_44 = arith.constant 9984 : i32
        %dma_start3A_45 = arith.constant 0 : i32
        %dma_start3A_46 = tpu.memref_slice %arg15[%dma_start3A_44, %dma_start3A_45] : memref<10032x16xf32, #tpu.memory_space<vmem_shared>> -> memref<16x16xf32, #tpu.memory_space<vmem_shared>>
        tpu.enqueue_dma source(%dma_start3A_46 : memref<16x16xf32, #tpu.memory_space<vmem_shared>>) target(%dma_start3A_43 : memref<16x16xf32, #tpu.memory_space<hbm>>) target_semaphore(%run_scoped3A : memref<!tpu.dma_semaphore, #tpu.memory_space<semaphore_mem>>)
        %dma_wait3A = arith.constant 0 : i32
        %dma_wait3A_47 = tpu.memref_slice %arg6[%add3A_42, %dma_wait3A] : memref<10000x16xf32, #tpu.memory_space<hbm>> -> memref<16x16xf32, #tpu.memory_space<hbm>>
        %dma_wait3A_48 = arith.constant 9984 : i32
        %dma_wait3A_49 = arith.constant 0 : i32
        %dma_wait3A_50 = tpu.memref_slice %arg15[%dma_wait3A_48, %dma_wait3A_49] : memref<10032x16xf32, #tpu.memory_space<vmem_shared>> -> memref<16x16xf32, #tpu.memory_space<vmem_shared>>
        tpu.wait_dma2 semaphore(%run_scoped3A : memref<!tpu.dma_semaphore, #tpu.memory_space<semaphore_mem>>) src(%dma_wait3A_50 : memref<16x16xf32, #tpu.memory_space<vmem_shared>>) dst(%dma_wait3A_47 : memref<16x16xf32, #tpu.memory_space<hbm>>)
        tpu.yield
      }) : () -> ()
    } else {
    }
    return
  }
}

module attributes {stable_mosaic.version = 14 : i64} {
  func.func @_matmul_body(%arg0: i32, %arg1: memref<1000x128xf32, #tpu.memory_space<vmem>>, %arg2: memref<128x128xf32, #tpu.memory_space<vmem>>, %arg3: memref<1000x128xf32, #tpu.memory_space<vmem>>) attributes {dimension_semantics = [#tpu.dimension_semantics<arbitrary>], iteration_bounds = array<i64: 10>, scalar_prefetch = 0 : i64, scratch_operands = 0 : i64, tpu.core_type = #tpu.core_type<tc>, window_params = [{transform_indices = @transform_0, window_bounds = array<i64: 1000, 128>}, {pipeline_mode = #tpu.pipeline_mode<synchronous>, transform_indices = @transform_1, window_bounds = array<i64: 128, 128>}, {transform_indices = @transform_2, window_bounds = array<i64: 1000, 128>}]} {
    %get3A = arith.constant 0 : index
    %get3A_0 = arith.constant 0 : index
    %get3A_1 = vector.load %arg1[%get3A, %get3A_0] : memref<1000x128xf32, #tpu.memory_space<vmem>>, vector<1000x128xf32>
    %get3A_2 = arith.constant 0 : index
    %get3A_3 = arith.constant 0 : index
    %get3A_4 = vector.load %arg2[%get3A_2, %get3A_3] : memref<128x128xf32, #tpu.memory_space<vmem>>, vector<128x128xf32>
    %dot_general3A = arith.constant dense<0.000000e+00> : vector<1000x128xf32>
    %dot_general3A_5 = tpu.matmul %get3A_1, %get3A_4, %dot_general3A {dimension_numbers = #tpu.dot_dimension_numbers<[1], [1], [0], [0], [0, 0, 1, 0], [], []>, precision = #tpu.contract_precision<fp32>, transpose_lhs_hint = false} : vector<1000x128xf32>, vector<128x128xf32>, vector<1000x128xf32> -> vector<1000x128xf32>
    %swap3A = arith.constant 0 : index
    %swap3A_6 = arith.constant 0 : index
    %swap3A_7 = vector.load %arg3[%swap3A, %swap3A_6] : memref<1000x128xf32, #tpu.memory_space<vmem>>, vector<1000x128xf32>
    tpu.vector_store %arg3[%swap3A, %swap3A_6], %dot_general3A_5 {strides = array<i32>} : memref<1000x128xf32, #tpu.memory_space<vmem>>, vector<1000x128xf32>,
    return
  }
  func.func @transform_0(%arg0: i32) -> (i32, i32) {
    %c0_i32 = arith.constant 0 : i32
    %c0_i32_0 = arith.constant 0 : i32
    return %arg0, %c0_i32 : i32, i32
  }
  func.func @transform_1(%arg0: i32) -> (i32, i32) {
    %c0_i32 = arith.constant 0 : i32
    %c0_i32_0 = arith.constant 0 : i32
    %c0_i32_1 = arith.constant 0 : i32
    return %c0_i32, %c0_i32_0 : i32, i32
  }
  func.func @transform_2(%arg0: i32) -> (i32, i32) {
    %c0_i32 = arith.constant 0 : i32
    %c0_i32_0 = arith.constant 0 : i32
    return %arg0, %c0_i32 : i32, i32
  }
}

module attributes {stable_mosaic.version = 14 : i64} {
  func.func @_finalize_body(%arg0: i32, %arg1: memref<1x1000x128xf32, #tpu.memory_space<vmem>>, %arg2: memref<1x1000x16xf32, #tpu.memory_space<vmem>>, %arg3: memref<1000x128xf32, #tpu.memory_space<vmem>>) attributes {dimension_semantics = [#tpu.dimension_semantics<arbitrary>], iteration_bounds = array<i64: 10>, scalar_prefetch = 0 : i64, scratch_operands = 0 : i64, tpu.core_type = #tpu.core_type<tc>, window_params = [{transform_indices = @transform_0, window_bounds = array<i64: 1, 1000, 128>}, {transform_indices = @transform_1, window_bounds = array<i64: 1, 1000, 16>}, {transform_indices = @transform_2, window_bounds = array<i64: 1000, 128>}]} {
    %get3A = arith.constant 0 : index
    %get3A_0 = arith.constant 0 : index
    %get3A_1 = arith.constant 0 : index
    %get3A_2 = vector.load %arg1[%get3A, %get3A_0, %get3A_1] : memref<1x1000x128xf32, #tpu.memory_space<vmem>>, vector<1x1000x128xf32>
    %get3A_3 = vector.shape_cast %get3A_2 : vector<1x1000x128xf32> to vector<1000x128xf32>
    %get3A_4 = arith.constant 0 : index
    %get3A_5 = arith.constant 0 : index
    %get3A_6 = arith.constant 0 : index
    %get3A_7 = vector.load %arg2[%get3A_4, %get3A_5, %get3A_6] : memref<1x1000x16xf32, #tpu.memory_space<vmem>>, vector<1x1000x1xf32>
    %get3A_8 = vector.shape_cast %get3A_7 : vector<1x1000x1xf32> to vector<1000x1xf32>
    %gt3A = arith.constant 0.000000e+00 : f32
    %gt3A_9 = vector.broadcast %gt3A : f32 to vector<1000x1xf32>
    %gt3A_10 = arith.cmpf ogt, %get3A_8, %gt3A_9 : vector<1000x1xf32>
    %max3A = arith.constant 1.000000e+00 : f32
    %max3A_11 = vector.broadcast %max3A : f32 to vector<1000x1xf32>
    %max3A_12 = arith.maximumf %get3A_8, %max3A_11 : vector<1000x1xf32>
    %div3A = arith.constant 1.000000e+00 : f32
    %div3A_13 = vector.broadcast %div3A : f32 to vector<1000x1xf32>
    %div3A_14 = arith.divf %div3A_13, %max3A_12 : vector<1000x1xf32>
    %jit3A = arith.constant 0.000000e+00 : f32
    %broadcast_in_dim3A = vector.broadcast %jit3A : f32 to vector<1000x1xf32>
    %select_n3A = arith.select %gt3A_10, %div3A_14, %broadcast_in_dim3A : vector<1000x1xi1>, vector<1000x1xf32>
    %mul3A = vector.broadcast %select_n3A : vector<1000x1xf32> to vector<1000x128xf32>
    %mul3A_15 = arith.mulf %get3A_3, %mul3A : vector<1000x128xf32>
    %swap3A = arith.constant 0 : index
    %swap3A_16 = arith.constant 0 : index
    %swap3A_17 = vector.load %arg3[%swap3A, %swap3A_16] : memref<1000x128xf32, #tpu.memory_space<vmem>>, vector<1000x128xf32>
    tpu.vector_store %arg3[%swap3A, %swap3A_16], %mul3A_15 {strides = array<i32>} : memref<1000x128xf32, #tpu.memory_space<vmem>>, vector<1000x128xf32>,
    return
  }
  func.func @transform_0(%arg0: i32) -> (i32, i32, i32) {
    %c0_i32 = arith.constant 0 : i32
    %c0_i32_0 = arith.constant 0 : i32
    %c0_i32_1 = arith.constant 0 : i32
    return %c0_i32, %arg0, %c0_i32_0 : i32, i32, i32
  }
  func.func @transform_1(%arg0: i32) -> (i32, i32, i32) {
    %c0_i32 = arith.constant 0 : i32
    %c0_i32_0 = arith.constant 0 : i32
    %c0_i32_1 = arith.constant 0 : i32
    return %c0_i32, %arg0, %c0_i32_0 : i32, i32, i32
  }
  func.func @transform_2(%arg0: i32) -> (i32, i32) {
    %c0_i32 = arith.constant 0 : i32
    %c0_i32_0 = arith.constant 0 : i32
    return %arg0, %c0_i32 : i32, i32
  }
}

</mosaic_0001>

<sc_bundles>
// kernel: kernel.5.cloned.1.call-start
scs
__scs_entry_jumppad:
0x0: {  	(pc) =	sbr.rel $0x88, $3  }
0x1: {  	(tag) =	ssettag $0x0;
	lr =	simm.s32 $0x1  }
0x2: {  	[smem:$0x3F9E] =	sst lr;
	_ =	strace $0xD0000000  }
0x3: {  	_ = 	snop  }
0x4: {  	_ = 	snop  }
0x5: {  	_ = 	snop  }
0x6: {  	_ = 	snop  }
0x7: {  	_ = 	snop  }
__scs_overlays_trampoline_lowered:
0x8: {  	[smem:$0x3FAD] =	sst s0  }
0x9: {  	[smem:$0x3FAE] =	sst s1  }
0xa: {  	[smem:$0x3FAF] =	sst s2  }
0xb: {  	[smem:$0x3FB0] =	sst s3  }
0xc: {  	[smem:$0x3FB1] =	sst s4  }
0xd: {  	[smem:$0x3FB2] =	sst s5  }
0xe: {  	[smem:$0x3FB3] =	sst s6  }
0xf: {  	[smem:$0x3FB4] =	sst s7  }
0x10: {  	[smem:$0x3FB5] =	sst s8  }
0x11: {  	[smem:$0x3FB6] =	sst s9;
	s0 =	simm.s32 @!p0 $0x0  }
0x12: {  	s1 =	sld [smem:$0x3F9C];
	s0 =	simm.s32 @p0 $0x1  }
0x13: {  	[smem:$0x3FB7] =	sst s0;
	s0 =	simm.s32 @!p1 $0x0  }
0x14: {  	s2 =	sld [smem:$0x3F9B];
	s0 =	simm.s32 @p1 $0x1  }
0x15: {  	[smem:$0x3FB8] =	sst s0;
	s0 =	simm.s32 @!p2 $0x0  }
0x16: {  	s3 =	sld [smem:$0x3FDB];
	s0 =	simm.s32 @p2 $0x1  }
0x17: {  	s4 =	simm.s32 $0x1BF5;
	[smem:$0x3FBA] =	sst s0  }
0x18: {  	s0 =	sld [smem:$0x3F9D];
	_ =	swait.ge [sflag:s4], $0x0  }
0x19: {  	s7 =	sld [smem:$0x3F9E]  }
0x1a: {  	s8 =	sadd.s32 $0xFFFFE003, lr  }
0x1b: {  	s9 =	sadd.s32 $0xFFFFFEF7, lr;
	s5 =	simm.s32 $0xFFFFFFFF;
	p2 =	slt.u32 s8, $0xFFFFF086  }
0x1c: {  	p1 =	slt.u32 s9, $0xF7A;
	s5 =	simm.s32 @!p2 $0x0  }
0x1d: {  	s5 =	simm.s32 @p1 $0x1;
	p0 =	seq.s32 s7, s2  }
0x1e: {  	s7 =	smul.u32 @!p0 $0xF7A, s2;
	p2 =	seq.s32 @!p0 s5, $0x0  }
0x1f: {  	s9 =	smul.u32 $0xF7A, s1;
	s8 =	simm.s32 @!p0 $0x1BF5;
	p2 =	por !p2, p0  }
0x20: {  	[sflag:s8] =	ssyncset.s32 @!p0 $0xFFFFF086;
	s6 =	sadd.s32 @!p0 s3, s7;
	s7 =	simm.s32 @!p0 $0x108  }
0x21: {  	s3 =	sadd.s32 s3, s9;
	s6 =	sadd.s32 @!p0 $0x88, s6;
	s7 =	simm.s32 @p2 $0x1082  }
0x22: {  	[simem:s7], [sflag:s8] =	dma.local @!p0 [hbm:s6], $0xF7A  }
0x23: {  	s9 =	sor.u32 $0xD0000000, s2;
	s6 =	simm.s32 $0x108;
	_ =	swait.ge @!p0 [sflag:s8], $0x0  }
0x24: {  	s3 =	sadd.s32 $0x88, s3;
	s6 =	simm.s32 @!p1 $0x1082;
	[sflag:s4] =	ssyncset.s32 $0xFFFFF086  }
0x25: {  	[simem:s6], [sflag:s4] =	dma.local [hbm:s3], $0xF7A  }
0x26: {  	[smem:$0x3F9E] =	sst s1;
	(tag) =	ssettag s2;
	_ =	strace s9  }
0x27: {  	s1 =	sld [smem:$0x3FAE]  }
0x28: {  	s2 =	sld [smem:$0x3FAF]  }
0x29: {  	s4 =	sld [smem:$0x3FB1]  }
0x2a: {  	p0 =	seq.s32 s5, $0x0;
	s5 =	sld [smem:$0x3FB2]  }
0x2b: {  	s6 =	sld [smem:$0x3FB3]  }
0x2c: {  	s7 =	sld [smem:$0x3FB4]  }
0x2d: {  	s3 =	simm.s32 $0x108;
	s8 =	sld [smem:$0x3FB5]  }
0x2e: {  	s3 =	simm.s32 @!p0 $0x1082;
	s9 =	sld [smem:$0x3FB6]  }
0x2f: {  	lr =	sadd.s32 s0, s3;
	s0 =	sld [smem:$0x3FAD]  }
0x30: {  	s3 =	sld [smem:$0x3FB0]  }
0x31: {  	[smem:$0x3FB9] =	sst s10  }
0x32: {  	s10 =	sld [smem:$0x3FB7];
	_ =	sdelay $0x3  }
0x33: {  	p0 =	seq.s32 s10, $0x1;
	s10 =	sld [smem:$0x3FB9];
	_ =	sdelay $0x3  }
0x34: {  	[smem:$0x3FB9] =	sst s10  }
0x35: {  	s10 =	sld [smem:$0x3FB8];
	_ =	sdelay $0x3  }
0x36: {  	p1 =	seq.s32 s10, $0x1;
	s10 =	sld [smem:$0x3FB9];
	_ =	sdelay $0x3  }
0x37: {  	[smem:$0x3FB9] =	sst s10  }
0x38: {  	s10 =	sld [smem:$0x3FBA]  }
0x39: {  	_ = 	snop;
	(pc) =	sbr.ind lr, $3  }
0x3a: {  	_ = 	snop  }
0x3b: {  	_ = 	snop  }
0x3c: {  	p2 =	seq.s32 s10, $0x1;
	s10 =	sld [smem:$0x3FB9]  }
0x3d: {  	_ =	shalt  }
0x3e: {  	_ =	shalt  }
0x3f: {  	_ =	shalt  }
0x40: {  	_ =	shalt  }
0x41: {  	_ =	shalt  }
0x42: {  	_ =	shalt  }
0x43: {  	_ =	shalt  }
0x44: {  	_ =	shalt  }
0x45: {  	_ =	shalt  }
0x46: {  	_ =	shalt  }
0x47: {  	_ =	shalt  }
0x48: {  	_ =	shalt  }
0x49: {  	_ =	shalt  }
0x4a: {  	_ =	shalt  }
0x4b: {  	_ =	shalt  }
0x4c: {  	_ =	shalt  }
0x4d: {  	_ =	shalt  }
0x4e: {  	_ =	shalt  }
0x4f: {  	_ =	shalt  }
0x50: {  	_ =	shalt  }
0x51: {  	_ =	shalt  }
0x52: {  	_ =	shalt  }
0x53: {  	_ =	shalt  }
0x54: {  	_ =	shalt  }
0x55: {  	_ =	shalt  }
0x56: {  	_ =	shalt  }
0x57: {  	_ =	shalt  }
0x58: {  	_ =	shalt  }
0x59: {  	_ =	shalt  }
0x5a: {  	_ =	shalt  }
0x5b: {  	_ =	shalt  }
0x5c: {  	_ =	shalt  }
0x5d: {  	_ =	shalt  }
0x5e: {  	_ =	shalt  }
0x5f: {  	_ =	shalt  }
0x60: {  	_ =	shalt  }
0x61: {  	_ =	shalt  }
0x62: {  	_ =	shalt  }
0x63: {  	_ =	shalt  }
0x64: {  	_ =	shalt  }
0x65: {  	_ =	shalt  }
0x66: {  	_ =	shalt  }
0x67: {  	_ =	shalt  }
0x68: {  	_ =	shalt  }
0x69: {  	_ =	shalt  }
0x6a: {  	_ =	shalt  }
0x6b: {  	_ =	shalt  }
0x6c: {  	_ =	shalt  }
0x6d: {  	_ =	shalt  }
0x6e: {  	_ =	shalt  }
0x6f: {  	_ =	shalt  }
0x70: {  	_ =	shalt  }
0x71: {  	_ =	shalt  }
0x72: {  	_ =	shalt  }
0x73: {  	_ =	shalt  }
0x74: {  	_ =	shalt  }
0x75: {  	_ =	shalt  }
0x76: {  	_ =	shalt  }
0x77: {  	_ =	shalt  }
0x78: {  	_ =	shalt  }
0x79: {  	_ =	shalt  }
0x7a: {  	_ =	shalt  }
0x7b: {  	_ =	shalt  }
0x7c: {  	_ =	shalt  }
0x7d: {  	_ =	shalt  }
0x7e: {  	_ =	shalt  }
0x7f: {  	_ =	shalt  }
0x80: {  	_ =	shalt  }
0x81: {  	_ =	shalt  }
0x82: {  	_ =	shalt  }
0x83: {  	_ =	shalt  }
0x84: {  	_ =	shalt  }
0x85: {  	_ =	shalt  }
0x86: {  	_ =	shalt  }
0x87: {  	_ =	shalt  }
.Lfunc_end0:
.L_simem_size_0:
called_computation_lowered:
.L_overlay_start_0:
0x88: {  	s0 =	sld [smem:$0x3FD9]  }
0x89: {  	s1 =	sld [smem:$0x3FFE];
	_ =	sdelay $0x3  }
0x8a: {  	s0 =	sadd.s32 s1, s0  }
0x8b: {  	[smem:$0x3FC5] =	sst s0  }
0x8c: {  	_ = 	snop  }
0x8d: {  	s0 =	sld [smem:$0x3FD0];
	(tm) =	ssettm $0x1  }
0x8e: {  	s16 =	sld [smem:$0x3FFB];
	_ =	sdelay $0x3  }
0x8f: {  	_ =	strace s16  }
0x90: {  	s1 =	sld [smem:$0x3FFC];
	_ =	sdelay $0x3  }
0x91: {  	_ =	strace s1  }
0x92: {  	s1 =	sld [smem:$0x3FFD];
	_ =	sdelay $0x3  }
0x93: {  	_ =	strace s1  }
0x94: {  	_ =	strace $0x8FFFFFFF  }
0x95: {  	s17 =	sld [smem:$0x3FDB];
	_ =	sdelay $0x1  }
0x96: {  	s2 =	simm.s32 $_scs_section_size  }
0x97: {  	s3 =	simm.s32 $_size__tile_overlayer_lowered;
	s4 =	simm.s32 $_tile_overlayer_lowered  }
0x98: {  	s20 =	simm.s32 $0x1BFF;
	s19 =	sshll.u32 s4, $0x1;
	s1 =	sadd.s32 s2, s17  }
0x99: {  	s5 =	simm.s32 $0x0;
	s18 =	sshll.u32 s3, $0x1;
	s3 =	sadd.s32 s19, s1  }
0x9a: {  	[timem:s5], [sflag:s20] =	dma.local [hbm:s3], s18  }
0x9b: {  	_ =	swait.ge [sflag:s20], s18  }
0x9c: {  	s2 =	ssub.s32 $0x0, s18;
	[sflag:s20] =	ssyncset.done $0x0  }
0x9d: {  	[sflag:s20] =	ssyncadd.s32 s2;
	_ =	sdelay $0x1  }
0x9e: {  	s21 =	simm.s32 $0x1B8B  }
0x9f: {  	_ =	swait.ge [sflag:s21], $0x1  }
0xa0: {  	[sflag:s21] =	ssyncset.done $0x0  }
0xa1: {  	s23 =	simm.s32 $0x1B8E;
	s22 =	sld [smem:$0x3FFE];
	[sflag:s21] =	ssyncadd.s32 $0xFFFFFFFF  }
0xa2: {  	s24 =	simm.s32 $execute0_lowered;
	[smem:$0x3FD2] =	sst s23  }
0xa3: {  	s3 =	sshll.u32 s24, $0x1;
	_ =	strace $0x80000046;
	[dreg:$0x1] =	wrdreg $0xFFFFFFFF  }
0xa4: {  	s25 =	simm.s32 $_size_execute0_lowered;
	s1 =	sadd.s32 s1, s3;
	[dreg:$0x0] =	wrdreg $0x0  }
0xa5: {  	s3 =	sshll.u32 s25, $0x1;
	[dreg:$0x2] =	wrdreg s1  }
0xa6: {  	[dreg:$0x3] =	wrdreg s3  }
0xa7: {  	[dreg:$0x4] =	wrdreg $0xC0  }
0xa8: {  	_ =	task [dreg:s5], $0x5FFFF  }
0xa9: {  	[dreg:$0x1] =	wrdreg $0xFFFFFFFF  }
0xaa: {  	[dreg:$0x0] =	wrdreg $0x60  }
0xab: {  	[dreg:$0x2] =	wrdreg s0  }
0xac: {  	[dreg:$0x3] =	wrdreg s22  }
0xad: {  	[dreg:$0x4] =	wrdreg $0x85800  }
0xae: {  	[dreg:$0x5] =	wrdreg $0x1BF000  }
0xaf: {  	[dreg:$0x6] =	wrdreg $0x9  }
0xb0: {  	_ =	task.clear_ibuf [dreg:s5], $0x7FFFF;
	_ =	strace $0x90000046  }
0xb1: {  	s26 =	simm.s32 $0x9;
	_ =	strace $0x80000048  }
0xb2: {  	_ =	swait.ge [sflag:s26], $0x1  }
0xb3: {  	[sflag:s26] =	ssyncadd.s32 $0xFFFFFFFF  }
0xb4: {  	_ =	strace $0x90000048  }
0xb5: {  	_ =	sfence  }
0xb6: {  	s28 =	sld [smem:$0x0];
	_ =	sdelay $0x1  }
0xb7: {  	s29 =	srdreg.scid  }
0xb8: {  	s30 =	sshll.u32 s29, $0xD;
	s31 =	sshrl.u32 s29, $0x2  }
0xb9: {  	s2 =	sand.u32 $0x4000, s30;
	s1 =	sand.u32 $0x1, s29;
	s0 =	sadd.s32 s31, s28  }
0xba: {  	s1 =	sor.u32 s2, s1;
	s0 =	sshll.u32 s0, $0x11  }
0xbb: {  	s0 =	sor.u32 s0, s1  }
0xbc: {  	s0 =	sadd.s32 $0x8F2B, s0  }
0xbd: {  	[sflag:s0] =	ssyncadd.remote.s32 $0x1  }
0xbe: {  	_ =	sfence.sel $0xFFFF  }
0xbf: {  	[dreg:$0x0] =	wrdreg $0xFFFFFFFF;
	(pc) =	sbr.abs _section_cstart, $3  }
0xc0: {  	[dreg:$0x1] =	wrdreg $0xFFFFFFFF  }
0xc1: {  	_ =	task.clear_ibuf [dreg:s5], $0x2FFFF;
	_ =	strace $0x9FFFFFFF  }
0xc2: {  	(tm) =	ssettm $0x7FFFFFFF  }
0xc3: {  	_ =	shalt  }
tec
execute0_lowered:
.L_overlay_start_1:
0x0: {  	(tag) =	ssettag $0x1  }
0x1: {  	s2 =	rddreg [dreg:$0x0]  }
0x2: {  	s0 =	rddreg [dreg:$0x1]  }
0x3: {  	s3 =	rddreg [dreg:$0x2]  }
0x4: {  	s4 =	rddreg [dreg:$0x3];
	s1 =	simm.s32 $0x0  }
0x5: {  	s7 =	simm.s32 $0x40;
	[smem:$0x7FF] =	sst s1;
	s5 =	sadd.s32 $0xA600, s0  }
0x6: {  	s6 =	sadd.s32 $0x800, s0;
	s10 =	sadd.s32 $0x19400, s0;
	s16 =	sadd.s32 $0x14400, s0  }
0x7: {  	v0 =	vimm.f32 $1.000000000e+00;
	s1 =	stileid.u32;
	s0 =	simm.s32 $0x0;
	_ =	strace $0x80000047  }
.LBB2_1:
0x8: {  	p0 =	sne.s32 s7, $0x17C0;
	[tilespmem:s0+$0x7680] =	vst v0;
	s0 =	smov.u32 s7;
	s7 =	sadd.s32 $0x40, s7  }
.Ltmp0:
0x9: {  	(pc) =	sbr.rel @p0 .LBB2_1-.Ltmp0, $2  }
0xa: {  	_ =	sdelay $0x2  }
0xb: {  	s0 =	sshra.s32 s0, $0x2  }
0xc: {  	[tilespmem:s0+$0x7680] =	vst v0;
	v0 =	vimm.f32 $0.0e+00;
	s31 =	simm.s32 $0x0  }
0xd: {  	s7 =	simm.s32 $0x7CC0;
	s8 =	simm.s32 $0x40;
	[tilespmem:s31+$0x8480] =	vst v0  }
.LBB2_3:
0xe: {  	p0 =	sne.s32 s8, $0x3C0;
	[tilespmem:s7+$0xFFFFFFC0] =	vst v0  }
0xf: {  	[tilespmem:s7+$0xFFFFFFD0] =	vst v0  }
0x10: {  	[tilespmem:s7+$0xFFFFFFE0] =	vst v0  }
0x11: {  	[tilespmem:s7+$0xFFFFFFF0] =	vst v0  }
.Ltmp1:
0x12: {  	[tilespmem:s7+$0x0] =	vst v0;
	(pc) =	sbr.rel @p0 .LBB2_3-.Ltmp1, $4  }
0x13: {  	[tilespmem:s7+$0x10] =	vst v0  }
0x14: {  	[tilespmem:s7+$0x20] =	vst v0  }
0x15: {  	s0 =	sshra.s32 s8, $0x2;
	[tilespmem:s7+$0x30] =	vst v0  }
0x16: {  	s8 =	sadd.s32 $0x40, s8;
	s7 =	sadd.s32 $0x80, s7;
	[tilespmem:s0+$0x8480] =	vst v0  }
0x17: {  	[tilespmem:s7+$0xFFFFFFC0] =	vst v0  }
0x18: {  	[tilespmem:s7+$0xFFFFFFD0] =	vst v0  }
0x19: {  	[tilespmem:s7+$0xFFFFFFE0] =	vst v0  }
0x1a: {  	[tilespmem:s7+$0xFFFFFFF0] =	vst v0  }
0x1b: {  	[tilespmem:s7+$0x0] =	vst v0;
	s0 =	smul.u32 $0x4E000, s1  }
0x1c: {  	[tilespmem:s7+$0x10] =	vst v0  }
0x1d: {  	[tilespmem:s7+$0x20] =	vst v0;
	s13 =	smul.u32 $0x9C00, s1;
	s11 =	sshrl.u32 s0, $0x2  }
0x1e: {  	[tilespmem:s7+$0x30] =	vst v0;
	s12 =	simm.s32 $0x7C80;
	s8 =	simm.s32 $0x7;
	s9 =	sadd.s32 s11, s3  }
0x1f: {  	[spmem:s9] =	stream.linear.scatter [tilespmem:s12], [sflag:$0x7], $0x800, $0x38;
	[tilespmem:$0x1E630] =	vst v63  }
0x20: {  	s31 =	sshrl.u32 s13, $0x2;
	_ =	swait.ge [sflag:s8], $0x800  }
0x21: {  	s7 =	sadd.s32 s31, s4;
	[sflag:s8] =	ssyncset.done $0x0  }
0x22: {  	s13 =	simm.s32 $0x8480;
	s0 =	sadd.s32 $0x0, s7;
	[sflag:s8] =	ssyncadd.s32 $0xFFFFF800  }
0x23: {  	[spmem:s0] =	stream.linear.scatter [tilespmem:s13], [sflag:$0x7], $0x100, $0x38;
	[tilespmem:$0x1E630] =	vst v63  }
0x24: {  	_ =	swait.ge [sflag:s8], $0x100  }
0x25: {  	s14 =	simm.s32 $0x400;
	[sflag:s8] =	ssyncset.done $0x0  }
.LBB2_5:
0x26: {  	p0 =	sne.s32 s14, $0x9800;
	[sflag:s8] =	ssyncadd.s32 $0xFFFFFF00;
	s9 =	sadd.s32 $0x800, s9  }
0x27: {  	[spmem:s9] =	stream.linear.scatter [tilespmem:s12], [sflag:$0x7], $0x800, $0x38;
	[tilespmem:$0x1E630] =	vst v63  }
0x28: {  	s0 =	smov.u32 s14;
	s14 =	sadd.s32 $0x400, s14;
	_ =	swait.ge [sflag:s8], $0x800  }
.Ltmp2:
0x29: {  	s0 =	sshra.s32 s0, $0x2;
	[sflag:s8] =	ssyncset.done $0x0;
	(pc) =	sbr.rel @p0 .LBB2_5-.Ltmp2, $4  }
0x2a: {  	s0 =	sadd.s32 s0, s7;
	[sflag:s8] =	ssyncadd.s32 $0xFFFFF800  }
0x2b: {  	[spmem:s0] =	stream.linear.scatter [tilespmem:s13], [sflag:$0x7], $0x100, $0x38;
	[tilespmem:$0x1E630] =	vst v63  }
0x2c: {  	_ =	swait.ge [sflag:s8], $0x100  }
0x2d: {  	[sflag:s8] =	ssyncset.done $0x0  }
0x2e: {  	p0 =	sne.s32 s1, $0xF;
	s12 =	smul.u32 $0x2700, s1  }
0x2f: {  	[sflag:s8] =	ssyncadd.s32 $0xFFFFFF00;
	s9 =	sadd.s32 $0x138000, s3;
	s17 =	smul.u32 $0x4E0, s1  }
0x30: {  	s8 =	sadd.s32 $0x27000, s4;
	s15 =	smul.u32 $0xD2, s1;
	s14 =	sadd.s32 s11, s3  }
0x31: {  	s26 =	sadd.s32 $0x27000, s10;
	s31 =	sadd.s32 $0x4E00, s16;
	s18 =	simm.s32 $0xB40  }
0x32: {  	s19 =	simm.s32 $0x60;
	s20 =	simm.s32 $0x1680;
	s0 =	simm.s32 @!p0 $0x7C80  }
0x33: {  	[spmem:s9] =	stream.linear.scatter @!p0 [tilespmem:s0], [sflag:$0x7], $0x800, $0x38;
	[tilespmem:$0x1E630] =	vst v63  }
0x34: {  	s21 =	simm.s32 $0x4680;
	s22 =	simm.s32 $0x1;
	s0 =	simm.s32 @!p0 $0x7  }
0x35: {  	s23 =	simm.s32 $0x7680;
	s24 =	simm.s32 $0x2;
	_ =	swait.ge @!p0 [sflag:s0], $0x800  }
0x36: {  	s25 =	simm.s32 $0x3;
	s28 =	simm.s32 $0x4;
	[sflag:s0] =	ssyncset.done @!p0 $0x0  }
0x37: {  	s29 =	simm.s32 $0x6;
	s13 =	simm.s32 @!p0 $0x8480;
	[sflag:s0] =	ssyncadd.s32 @!p0 $0xFFFFF800  }
0x38: {  	[spmem:s8] =	stream.linear.scatter @!p0 [tilespmem:s13], [sflag:$0x7], $0x100, $0x38;
	[tilespmem:$0x1E630] =	vst v63  }
0x39: {  	s30 =	simm.s32 $0x0;
	s13 =	sadd.s32 s10, s12;
	_ =	swait.ge @!p0 [sflag:s0], $0x100  }
0x3a: {  	s12 =	sadd.s32 s16, s17;
	[dreg:$0x6] =	wrdreg s26;
	[sflag:s0] =	ssyncset.done @!p0 $0x0  }
0x3b: {  	s16 =	simm.s32 $0x0;
	[dreg:$0x5] =	wrdreg s31;
	[sflag:s0] =	ssyncadd.s32 @!p0 $0xFFFFFF00  }
0x3c: {  	s17 =	simm.s32 $0x7;
	s26 =	simm.s32 $0x5;
	[bflag:$0x0] =	sbarrier.arrive $0xFFFF  }
.LBB2_7:
0x3d: {  	s0 =	smul.u32 $0x1E, s30;
	_ =	sdelay $0x1  }
0x3e: {  	s0 =	sadd.s32 s15, s0  }
0x3f: {  	s0 =	smul.u32 $0xC, s0;
	_ =	sdelay $0x1  }
0x40: {  	s31 =	sadd.s32 s5, s0  }
0x41: {  	[tilespmem:s16], [sflag:$0x7] =	stream.linear.gather [hbm4b:s31+s16], $0xB40, $0x38;
	[tilespmem:$0x1E630] =	vst v63  }
0x42: {  	_ =	swait.ge [sflag:s17], $0xB40  }
0x43: {  	[sflag:s17] =	ssyncset.done $0x0  }
0x44: {  	s0 =	sadd.s32 s6, s0;
	[sflag:s17] =	ssyncadd.s32 $0xFFFFF4C0  }
0x45: {  	[tilespmem:s18], [sflag:$0x7] =	stream.linear.gather [hbm4b:s0+s16], $0xB40, $0x38;
	[tilespmem:$0x1E630] =	vst v63  }
0x46: {  	_ =	swait.ge [sflag:s17], $0xB40  }
0x47: {  	[sflag:s17] =	ssyncset.done $0x0  }
0x48: {  	s10 =	simm.s32 $0x0;
	[sflag:s17] =	ssyncadd.s32 $0xFFFFF4C0  }
0x49: {  	[tilespmem:s20], [sflag:$0x1] =	stream.indirect.gather [hbm4b:s2+s19], $0x80, s10, s19, $0xb8;
	[tilespmem:$0x1E630] =	vst v63  }
0x4a: {  	s11 =	simm.s32 $0x60  }
0x4b: {  	[tilespmem:s21], [sflag:$0x2] =	stream.indirect.gather [hbm4b:s2+s19], $0x80, s11, s19, $0xb8;
	[tilespmem:$0x1E630] =	vst v63  }
0x4c: {  	_ =	swait.ge [sflag:s22], $0x3000  }
0x4d: {  	[sflag:s22] =	ssyncset.done $0x0  }
0x4e: {  	s10 =	simm.s32 $0xB40;
	[sflag:s22] =	ssyncadd.s32 $0xFFFFD000  }
0x4f: {  	[spmem:s3] =	stream.indirect.scatter.add.f32 [tilespmem:s20], [sflag:$0x3], $0x80, s10, s19, $0xb8;
	[tilespmem:$0x1E630] =	vst v63  }
0x50: {  	_ = 	snop  }
0x51: {  	[spmem:s4] =	stream.indirect.scatter.add.f32 [tilespmem:s23], [sflag:$0x5], $0x10, s10, s19, $0xb8;
	[tilespmem:$0x1E630] =	vst v63  }
0x52: {  	_ =	swait.ge [sflag:s24], $0x3000  }
0x53: {  	[sflag:s24] =	ssyncset.done $0x0  }
0x54: {  	s11 =	simm.s32 $0xBA0;
	[sflag:s24] =	ssyncadd.s32 $0xFFFFD000  }
0x55: {  	[spmem:s3] =	stream.indirect.scatter.add.f32 [tilespmem:s21], [sflag:$0x4], $0x80, s11, s19, $0xb8;
	[tilespmem:$0x1E630] =	vst v63  }
0x56: {  	_ = 	snop  }
0x57: {  	[spmem:s4] =	stream.indirect.scatter.add.f32 [tilespmem:s23], [sflag:$0x6], $0x10, s11, s19, $0xb8;
	[tilespmem:$0x1E630] =	vst v63  }
0x58: {  	_ =	swait.ge [sflag:s25], $0x3000  }
0x59: {  	[sflag:s25] =	ssyncset.done $0x0  }
0x5a: {  	[sflag:s25] =	ssyncadd.s32 $0xFFFFD000  }
0x5b: {  	_ =	swait.ge [sflag:s26], $0x600  }
0x5c: {  	[sflag:s26] =	ssyncset.done $0x0  }
0x5d: {  	[sflag:s26] =	ssyncadd.s32 $0xFFFFFA00  }
0x5e: {  	_ =	swait.ge [sflag:s28], $0x3000  }
0x5f: {  	[sflag:s28] =	ssyncset.done $0x0  }
0x60: {  	[sflag:s28] =	ssyncadd.s32 $0xFFFFD000  }
0x61: {  	_ =	swait.ge [sflag:s29], $0x600  }
0x62: {  	s31 =	simm.s32 $0x300;
	s0 =	simm.s32 $0x600;
	[sflag:s29] =	ssyncset.done $0x0  }
.LBB2_8:
0x63: {  	s10 =	sshra.s32 s31, $0x2  }
0x64: {  	[sflag:s29] =	ssyncadd.s32 $0xFFFFFA00;
	s31 =	smov.u32 s0;
	s11 =	sadd.s32 $0x300, s0  }
0x65: {  	[tilespmem:s20], [sflag:$0x1] =	stream.indirect.gather [hbm4b:s2+s19], $0x80, s10, s19, $0xb8;
	[tilespmem:$0x1E630] =	vst v63  }
0x66: {  	p1 =	sne.s32 s0, $0x2A00;
	s0 =	sadd.s32 $0x60, s10  }
0x67: {  	[tilespmem:s21], [sflag:$0x2] =	stream.indirect.gather [hbm4b:s2+s19], $0x80, s0, s19, $0xb8;
	[tilespmem:$0x1E630] =	vst v63  }
0x68: {  	_ =	swait.ge [sflag:s22], $0x3000  }
0x69: {  	[sflag:s22] =	ssyncset.done $0x0  }
0x6a: {  	s0 =	sadd.s32 $0xB40, s10;
	[sflag:s22] =	ssyncadd.s32 $0xFFFFD000  }
0x6b: {  	[spmem:s3] =	stream.indirect.scatter.add.f32 [tilespmem:s20], [sflag:$0x3], $0x80, s0, s19, $0xb8;
	[tilespmem:$0x1E630] =	vst v63  }
0x6c: {  	_ = 	snop  }
0x6d: {  	[spmem:s4] =	stream.indirect.scatter.add.f32 [tilespmem:s23], [sflag:$0x5], $0x10, s0, s19, $0xb8;
	[tilespmem:$0x1E630] =	vst v63  }
0x6e: {  	_ =	swait.ge [sflag:s24], $0x3000  }
0x6f: {  	[sflag:s24] =	ssyncset.done $0x0  }
0x70: {  	s0 =	sadd.s32 $0xBA0, s10;
	[sflag:s24] =	ssyncadd.s32 $0xFFFFD000  }
0x71: {  	[spmem:s3] =	stream.indirect.scatter.add.f32 [tilespmem:s21], [sflag:$0x4], $0x80, s0, s19, $0xb8;
	[tilespmem:$0x1E630] =	vst v63  }
0x72: {  	_ = 	snop  }
0x73: {  	[spmem:s4] =	stream.indirect.scatter.add.f32 [tilespmem:s23], [sflag:$0x6], $0x10, s0, s19, $0xb8;
	[tilespmem:$0x1E630] =	vst v63  }
0x74: {  	_ =	swait.ge [sflag:s25], $0x3000  }
0x75: {  	[sflag:s25] =	ssyncset.done $0x0  }
0x76: {  	[sflag:s25] =	ssyncadd.s32 $0xFFFFD000  }
0x77: {  	_ =	swait.ge [sflag:s26], $0x600  }
0x78: {  	[sflag:s26] =	ssyncset.done $0x0  }
0x79: {  	[sflag:s26] =	ssyncadd.s32 $0xFFFFFA00  }
.Ltmp3:
0x7a: {  	_ =	swait.ge [sflag:s28], $0x3000;
	(pc) =	sbr.rel @p1 .LBB2_8-.Ltmp3, $4  }
0x7b: {  	[sflag:s28] =	ssyncset.done $0x0  }
0x7c: {  	[sflag:s28] =	ssyncadd.s32 $0xFFFFD000  }
0x7d: {  	_ =	swait.ge [sflag:s29], $0x600  }
0x7e: {  	s0 =	smov.u32 s11;
	[sflag:s29] =	ssyncset.done $0x0  }
0x7f: {  	s0 =	sshra.s32 s31, $0x2;
	[sflag:s29] =	ssyncadd.s32 $0xFFFFFA00  }
0x80: {  	[tilespmem:s20], [sflag:$0x1] =	stream.indirect.gather [hbm4b:s2+s19], $0x80, s0, s19, $0xb8;
	[tilespmem:$0x1E630] =	vst v63  }
0x81: {  	s10 =	sadd.s32 $0x60, s0  }
0x82: {  	[tilespmem:s21], [sflag:$0x2] =	stream.indirect.gather [hbm4b:s2+s19], $0x80, s10, s19, $0xb8;
	[tilespmem:$0x1E630] =	vst v63  }
0x83: {  	_ =	swait.ge [sflag:s22], $0x3000  }
0x84: {  	[sflag:s22] =	ssyncset.done $0x0  }
0x85: {  	s31 =	sadd.s32 $0xB40, s0;
	[sflag:s22] =	ssyncadd.s32 $0xFFFFD000  }
0x86: {  	[spmem:s3] =	stream.indirect.scatter.add.f32 [tilespmem:s20], [sflag:$0x3], $0x80, s31, s19, $0xb8;
	[tilespmem:$0x1E630] =	vst v63  }
0x87: {  	_ = 	snop  }
0x88: {  	[spmem:s4] =	stream.indirect.scatter.add.f32 [tilespmem:s23], [sflag:$0x5], $0x10, s31, s19, $0xb8;
	[tilespmem:$0x1E630] =	vst v63  }
0x89: {  	_ =	swait.ge [sflag:s24], $0x3000  }
0x8a: {  	[sflag:s24] =	ssyncset.done $0x0  }
0x8b: {  	s0 =	sadd.s32 $0xBA0, s0;
	[sflag:s24] =	ssyncadd.s32 $0xFFFFD000  }
0x8c: {  	[spmem:s3] =	stream.indirect.scatter.add.f32 [tilespmem:s21], [sflag:$0x4], $0x80, s0, s19, $0xb8;
	[tilespmem:$0x1E630] =	vst v63  }
0x8d: {  	_ = 	snop  }
0x8e: {  	[spmem:s4] =	stream.indirect.scatter.add.f32 [tilespmem:s23], [sflag:$0x6], $0x10, s0, s19, $0xb8;
	[tilespmem:$0x1E630] =	vst v63  }
0x8f: {  	_ =	swait.ge [sflag:s25], $0x3000  }
0x90: {  	[sflag:s25] =	ssyncset.done $0x0  }
0x91: {  	[sflag:s25] =	ssyncadd.s32 $0xFFFFD000  }
0x92: {  	_ =	swait.ge [sflag:s26], $0x600  }
0x93: {  	[sflag:s26] =	ssyncset.done $0x0  }
0x94: {  	s30 =	sadd.s32 $0x1, s30;
	[sflag:s26] =	ssyncadd.s32 $0xFFFFFA00  }
0x95: {  	p1 =	sne.s32 s30, $0x7;
	_ =	swait.ge [sflag:s28], $0x3000  }
.Ltmp4:
0x96: {  	[sflag:s28] =	ssyncset.done $0x0;
	(pc) =	sbr.rel @p1 .LBB2_7-.Ltmp4, $4  }
0x97: {  	[sflag:s28] =	ssyncadd.s32 $0xFFFFD000  }
0x98: {  	_ =	swait.ge [sflag:s29], $0x600  }
0x99: {  	[sflag:s29] =	ssyncset.done $0x0  }
0x9a: {  	[sflag:s29] =	ssyncadd.s32 $0xFFFFFA00  }
0x9b: {  	s0 =	sshll.u32 s1, $0x6;
	[bflag:$0x0] =	sbarrier.arrive $0xFFFF  }
0x9c: {  	s2 =	sshrl.u32 s14, $0x3;
	s31 =	simm.s32 $0x7;
	s0 =	sor.u32 $0x1C07, s0  }
0x9d: {  	[hbm:s13], [sflag:s0] =	dma.local [spmem:s2], $0x2700  }
0x9e: {  	_ =	swait.ge [sflag:s31], $0x2700  }
0x9f: {  	[sflag:s31] =	ssyncset.done $0x0  }
0xa0: {  	s3 =	sshrl.u32 s7, $0x3;
	[sflag:s31] =	ssyncadd.s32 $0xFFFFD900  }
0xa1: {  	[hbm:s12], [sflag:s0] =	dma.local [spmem:s3], $0x4E0  }
0xa2: {  	_ =	swait.ge [sflag:s31], $0x4E0  }
0xa3: {  	[sflag:s31] =	ssyncset.done $0x0  }
0xa4: {  	s2 =	sshrl.u32 @!p0 s9, $0x3;
	s3 =	rddreg [dreg:$0x6];
	[sflag:s31] =	ssyncadd.s32 $0xFFFFFB20  }
0xa5: {  	[hbm:s3], [sflag:s0] =	dma.local @!p0 [spmem:s2], $0x100  }
0xa6: {  	s2 =	simm.s32 @!p0 $0x7  }
0xa7: {  	_ =	swait.ge @!p0 [sflag:s2], $0x100  }
0xa8: {  	[sflag:s2] =	ssyncset.done @!p0 $0x0  }
0xa9: {  	s3 =	sshrl.u32 @!p0 s8, $0x3;
	s4 =	rddreg [dreg:$0x5];
	[sflag:s2] =	ssyncadd.s32 @!p0 $0xFFFFFF00  }
0xaa: {  	[hbm:s4], [sflag:s0] =	dma.local @!p0 [spmem:s3], $0x20  }
0xab: {  	_ =	swait.ge @!p0 [sflag:s2], $0x20  }
0xac: {  	[sflag:s2] =	ssyncset.done @!p0 $0x0  }
0xad: {  	[sflag:s2] =	ssyncadd.s32 @!p0 $0xFFFFFFE0  }
0xae: {  	_ =	sfence.sel $0x180000  }
0xaf: {  	[bflag:$0x0] =	sbarrier.arrive $0xFFFF  }
0xb0: {  	_ =	strace $0x90000047  }
0xb1: {  	[bflag:$0x2] =	sbarrier.arrive $0xFFFF  }
0xb2: {  	p0 =	sne.s32 s1, $0x0;
	s0 =	rddreg [dreg:$0x4]  }
0xb3: {  	s0 =	sadd.s32 @!p0 $0x100000, s0  }
0xb4: {  	[sflag:s0] =	ssyncadd.tile.s32 @!p0 $0x1;
	_ =	shalt  }
.Lfunc_end2:
_tile_overlayer_lowered:
.L_overlay_start_2:
0xb5: {  	(tag) =	ssettag $0x2  }
0xb6: {  	s0 =	rddreg [dreg:$0x0];
	s2 =	stileid.u32  }
0xb7: {  	s1 =	rddreg [dreg:$0x1];
	p0 =	sne.s32 s2, $0x0  }
0xb8: {  	s3 =	rddreg [dreg:$0x2];
	[bflag:$0x3] =	sbarrier.arrive $0xFFFF;
	s2 =	simm.s32 @!p0 $0x1C07  }
0xb9: {  	[timem:s3], [sflag:s2] =	dma.local @!p0 [hbm:s0], s1  }
0xba: {  	s0 =	simm.s32 @!p0 $0x7  }
0xbb: {  	_ =	swait.ge @!p0 [sflag:s0], s1  }
0xbc: {  	s1 =	ssub.s32 @!p0 $0x0, s1;
	[sflag:s0] =	ssyncset.done @!p0 $0x0  }
0xbd: {  	[sflag:s0] =	ssyncadd.s32 @!p0 s1  }
0xbe: {  	[bflag:$0x3] =	sbarrier.arrive $0xFFFF  }
0xbf: {  	_ =	shalt  }

</sc_bundles>
